<compile_context>
chip_gen: v7x
topology: tpu7x:2x2x1
jax: 0.10.2.dev20260603
libtpu: 0.0.44.dev20260713+nightly
codegen_flags: <defaults>
</compile_context>

<pallas_src>
import jax
import jax.numpy as jnp
from jax import lax
from jax.experimental import pallas as pl
from jax.experimental.pallas import tpu as pltpu
from jax.experimental.pallas import tpu_sc as plsc

_V = 1000
_SEQ = 32
_H = 768
_B = 16384

_NC = 2
_NS = 16
_NW = _NC * _NS
_BPW = _B // _NW
_MCAP = 1024
_RCAP = 64
_ICH = 1024
_MC = 32
_NT = 32


def _body(ids_hbm, table_hbm, masks_hbm, cond_out, mask_out,
          ibuf0, ibuf1, idx_mask, mat_key, pos0, pos1, row0, row1, masks_v,
          gsem0, gsem1, wsem0, wsem1, msem, isem):
    wid = lax.axis_index("s") * _NC + lax.axis_index("c")
    base = wid * _BPW
    lanes = lax.iota(jnp.int32, 16)
    rows = (row0, row1)
    poss = (pos0, pos1)
    gsems = (gsem0, gsem1)
    wsems = (wsem0, wsem1)

    def rowid(t):
        return jnp.minimum(wid + _NW * t, _V - 1)

    def load_desc(t, b):
        return pltpu.make_async_copy(table_hbm.at[pl.ds(rowid(t), 1)],
                                     rows[b], gsems[b])

    load_desc(0, 0).start()

    pltpu.sync_copy(ids_hbm.at[pl.ds(base, _BPW)], idx_mask)

    def mgather_desc(c):
        return pltpu.make_async_copy(
            masks_hbm.at[idx_mask.at[pl.ds(c * _MC, _MC)]], masks_v, msem)

    mgather_desc(0).start()

    ibufs = (ibuf0, ibuf1)
    ncz = _B // _ICH

    def ichunk_desc(c, b):
        return pltpu.make_async_copy(ids_hbm.at[pl.ds(c * _ICH, _ICH)],
                                     ibufs[b], isem)

    ichunk_desc(0, 0).start()
    ichunk_desc(1, 1).start()

    def scan_pair(c2, off):
        o = off
        for b in range(2):
            c = 2 * c2 + b
            ichunk_desc(c, b).wait()

            def scan_a(k, oo, _c=c, _b=b):
                v = ibufs[_b][pl.ds(k * 16, 16)]
                hit = (v & 31) == wid
                inc = hit.astype(jnp.int32)
                tgt = oo + plsc.cumsum(inc) - 1
                ok = hit & (tgt < _MCAP)
                key = (v << 14) | (_c * _ICH + k * 16 + lanes)
                plsc.store_scatter(mat_key, [tgt], key, mask=ok)
                return oo + jnp.sum(inc)

            o = lax.fori_loop(0, _ICH // 16, scan_a, o)

            @pl.when(c + 2 < ncz)
            def _():
                ichunk_desc(c + 2, b).start()

        return o

    off = lax.fori_loop(0, ncz // 2, scan_pair, jnp.int32(0))
    off = jnp.minimum(off, _MCAP)
    nv = (off + 15) // 16

    def scan_row(r, pos_ref):
        def scan_b(k, cnt):
            key = mat_key[pl.ds(k * 16, 16)]
            hit = ((key >> 14) == r) & ((k * 16 + lanes) < off)
            inc = hit.astype(jnp.int32)
            tgt = cnt + plsc.cumsum(inc) - 1
            ok = hit & (tgt < _RCAP)
            plsc.store_scatter(pos_ref, [tgt], key & 16383, mask=ok)
            return cnt + jnp.sum(inc)

        return jnp.minimum(lax.fori_loop(0, nv, scan_b, jnp.int32(0)), _RCAP)

    cnt0 = scan_row(rowid(0), pos0)
    cnt1 = scan_row(rowid(1), pos1)

    def fire(b, cnt):
        def wfire(j, carry):
            vec = poss[b][pl.ds((j // 16) * 16, 16)]
            p = jnp.sum(jnp.where(lanes == (j % 16), vec, 0))
            pltpu.make_async_copy(rows[b], cond_out.at[pl.ds(p, 1)],
                                  wsems[b]).start()
            return carry

        lax.fori_loop(0, cnt, wfire, 0)

    def drain(b, cnt):
        def wdrain(j, carry):
            pltpu.make_async_copy(rows[b], cond_out.at[pl.ds(0, 1)],
                                  wsems[b]).wait()
            return carry

        lax.fori_loop(0, cnt, wdrain, 0)

    def step(t2, carry):
        cnts = [carry[0], carry[1]]
        pend = carry[2]
        for b in range(2):
            t = 2 * t2 + b
            load_desc(t, b).wait()
            fire(b, cnts[b])
            fired = cnts[b]
            @pl.when(t < _BPW // _MC)
            def _():
                mgather_desc(t).wait()
                pltpu.sync_copy(masks_v,
                                mask_out.at[pl.ds(base + t * _MC, _MC)])

                @pl.when(t + 1 < _BPW // _MC)
                def _():
                    mgather_desc(t + 1).start()

            cnts[b] = scan_row(rowid(t + 2), poss[b])
            drain(1 - b, pend)

            @pl.when(t + 1 < _NT)
            def _():
                load_desc(t + 1, 1 - b).start()

            pend = fired
        return (cnts[0], cnts[1], pend)

    _, _, pend = lax.fori_loop(0, _NT // 2, step,
                               (cnt0, cnt1, jnp.int32(0)))
    drain(1, pend)


@jax.jit
def _lookup(ids, table, masks):
    kfn = pl.kernel(
        _body,
        out_type=(
            jax.ShapeDtypeStruct((_B, _SEQ, _H), jnp.float32),
            jax.ShapeDtypeStruct((_B, 128), jnp.int32),
        ),
        mesh=plsc.VectorSubcoreMesh(core_axis_name="c", subcore_axis_name="s"),
        compiler_params=pltpu.CompilerParams(needs_layout_passes=False),
        scratch_types=[
            pltpu.VMEM((_ICH,), jnp.int32),
            pltpu.VMEM((_ICH,), jnp.int32),
            pltpu.VMEM((_BPW,), jnp.int32),
            pltpu.VMEM((_MCAP,), jnp.int32),
            pltpu.VMEM((_RCAP,), jnp.int32),
            pltpu.VMEM((_RCAP,), jnp.int32),
            pltpu.VMEM((1, _SEQ, _H), jnp.float32),
            pltpu.VMEM((1, _SEQ, _H), jnp.float32),
            pltpu.VMEM((_MC, 128), jnp.int32),
            pltpu.SemaphoreType.DMA,
            pltpu.SemaphoreType.DMA,
            pltpu.SemaphoreType.DMA,
            pltpu.SemaphoreType.DMA,
            pltpu.SemaphoreType.DMA,
            pltpu.SemaphoreType.DMA,
        ],
    )
    return kfn(ids, table, masks)


def kernel(emotion_ids, conditioning, attention_masks):
    ids = emotion_ids.astype(jnp.int32)
    masks128 = jnp.pad(attention_masks, ((0, 0), (0, 128 - _SEQ)))
    cond_out, mask_out = _lookup(ids, conditioning, masks128)
    return cond_out, mask_out[:, :_SEQ]

# --- scband reference (transcript-rebuilt; emitter-appended) ---
"""Pipeline reference for scband-emotion-embedding-30322469109844 (READ-ONLY COPY).

The authoritative reference and input builder live on the scoring server;
editing this copy changes nothing except your own understanding.
"""

import jax, jax.numpy as jnp
import numpy as np

NUM_EMOTIONS = 1000
HIDDEN_DIM = 768
MAX_SEQ_LEN = 32
BATCH = 16384


def setup_inputs(seed: int = 0) -> dict:
    key = jax.random.key(seed)
    k1, k2 = jax.random.split(key)
    emotion_ids = jax.random.randint(k1, (BATCH,), 0, NUM_EMOTIONS, dtype=jnp.int64 if jax.config.jax_enable_x64 else jnp.int32)
    # Learned parameter: conditioning embeddings (initialized as zeros in torch, use randn for nontrivial data)
    conditioning = jax.random.normal(k2, (NUM_EMOTIONS, MAX_SEQ_LEN, HIDDEN_DIM), dtype=jnp.float32) * 0.02
    # Registered buffer: attention masks (zeros, long dtype in torch)
    attention_masks = jnp.zeros((NUM_EMOTIONS, MAX_SEQ_LEN), dtype=jnp.int32)
    return {"emotion_ids": emotion_ids, "conditioning": conditioning, "attention_masks": attention_masks}


def reference(emotion_ids, conditioning, attention_masks):
    # Faithful translation of EmotionEmbedding.forward:
    #   return (self.conditioning[emotion_ids], self.attention_masks[emotion_ids])
    cond_out = jnp.take(conditioning, emotion_ids, axis=0)
    mask_out = jnp.take(attention_masks, emotion_ids, axis=0)
    return (cond_out, mask_out)

if __name__ == "__main__":
    import jax
    _d = setup_inputs()
    print(jax.jit(kernel)(*tuple(_d.values())))

</pallas_src>

<mosaic_0001>
#map = affine_map<(d0, d1) -> (0)>
#map1 = affine_map<(d0, d1) -> (0, 0, 0)>
#map2 = affine_map<(d0, d1) -> (0, 0)>
module attributes {stable_mosaic.version = 14 : i64} {
  func.func @_body(%arg0: i32, %arg1: i32, %arg2: memref<16384xi32, #tpu.memory_space<hbm>>, %arg3: memref<1000x32x768xf32, #tpu.memory_space<hbm>>, %arg4: memref<1000x128xi32, #tpu.memory_space<hbm>>, %arg5: memref<16384x32x768xf32, #tpu.memory_space<hbm>>, %arg6: memref<16384x128xi32, #tpu.memory_space<hbm>>, %arg7: memref<1024xi32, #tpu.memory_space<vmem>>, %arg8: memref<1024xi32, #tpu.memory_space<vmem>>, %arg9: memref<512xi32, #tpu.memory_space<vmem>>, %arg10: memref<1024xi32, #tpu.memory_space<vmem>>, %arg11: memref<64xi32, #tpu.memory_space<vmem>>, %arg12: memref<64xi32, #tpu.memory_space<vmem>>, %arg13: memref<1x32x768xf32, #tpu.memory_space<vmem>>, %arg14: memref<1x32x768xf32, #tpu.memory_space<vmem>>, %arg15: memref<32x128xi32, #tpu.memory_space<vmem>>, %arg16: memref<!tpu.dma_semaphore, #tpu.memory_space<semaphore_mem>>, %arg17: memref<!tpu.dma_semaphore, #tpu.memory_space<semaphore_mem>>, %arg18: memref<!tpu.dma_semaphore, #tpu.memory_space<semaphore_mem>>, %arg19: memref<!tpu.dma_semaphore, #tpu.memory_space<semaphore_mem>>, %arg20: memref<!tpu.dma_semaphore, #tpu.memory_space<semaphore_mem>>, %arg21: memref<!tpu.dma_semaphore, #tpu.memory_space<semaphore_mem>>) attributes {dimension_semantics = [#tpu.dimension_semantics<core_parallel>, #tpu.dimension_semantics<subcore_parallel>], iteration_bounds = array<i64: 2, 16>, scalar_prefetch = 0 : i64, scratch_operands = 15 : i64, tpu.core_type = #tpu.core_type<sc_vector_subcore>, window_params = [{transform_indices = #map}, {transform_indices = #map1}, {transform_indices = #map2}, {transform_indices = #map1}, {transform_indices = #map2}]} {
    %mul3A = arith.constant 2 : i32
    %mul3A_0 = arith.muli %arg1, %mul3A : i32
    %add3A = arith.addi %mul3A_0, %arg0 : i32
    %mul3A_1 = arith.constant 512 : i32
    %mul3A_2 = arith.muli %add3A, %mul3A_1 : i32
    %iota3A = tpu.iota {dimensions = array<i32: 0>} : vector<16xi32>
    %add3A_3 = arith.constant 0 : i32
    %add3A_4 = arith.addi %add3A, %add3A_3 : i32
    %min3A = arith.constant 999 : i32
    %min3A_5 = arith.minsi %add3A_4, %min3A : i32
    %dma_start3A = arith.constant 0 : i32
    %dma_start3A_6 = arith.constant 0 : i32
    %dma_start3A_7 = tpu.memref_slice %arg3[%min3A_5, %dma_start3A, %dma_start3A_6] : memref<1000x32x768xf32, #tpu.memory_space<hbm>> -> memref<1x32x768xf32, #tpu.memory_space<hbm>>
    %dma_start3A_8 = arith.constant 0 : i32
    %dma_start3A_9 = arith.constant 0 : i32
    %dma_start3A_10 = tpu.memref_slice %arg3[%min3A_5, %dma_start3A_8, %dma_start3A_9] : memref<1000x32x768xf32, #tpu.memory_space<hbm>> -> memref<1x32x768xf32, #tpu.memory_space<hbm>>
    tpu.enqueue_dma source(%dma_start3A_10 : memref<1x32x768xf32, #tpu.memory_space<hbm>>) target(%arg13 : memref<1x32x768xf32, #tpu.memory_space<vmem>>) target_semaphore(%arg16 : memref<!tpu.dma_semaphore, #tpu.memory_space<semaphore_mem>>)
    "tpu.region"() ({
      %run_scoped3A = tpu.sem_alloc : memref<!tpu.dma_semaphore, #tpu.memory_space<semaphore_mem>>
      %dma_start3A_102 = tpu.memref_slice %arg2[%mul3A_2] : memref<16384xi32, #tpu.memory_space<hbm>> -> memref<512xi32, #tpu.memory_space<hbm>>
      %dma_start3A_103 = tpu.memref_slice %arg2[%mul3A_2] : memref<16384xi32, #tpu.memory_space<hbm>> -> memref<512xi32, #tpu.memory_space<hbm>>
      tpu.enqueue_dma source(%dma_start3A_103 : memref<512xi32, #tpu.memory_space<hbm>>) target(%arg9 : memref<512xi32, #tpu.memory_space<vmem>>) target_semaphore(%run_scoped3A : memref<!tpu.dma_semaphore, #tpu.memory_space<semaphore_mem>>)
      %dma_wait3A = tpu.memref_slice %arg2[%mul3A_2] : memref<16384xi32, #tpu.memory_space<hbm>> -> memref<512xi32, #tpu.memory_space<hbm>>
      %dma_wait3A_104 = tpu.memref_slice %arg2[%mul3A_2] : memref<16384xi32, #tpu.memory_space<hbm>> -> memref<512xi32, #tpu.memory_space<hbm>>
      tpu.wait_dma2 semaphore(%run_scoped3A : memref<!tpu.dma_semaphore, #tpu.memory_space<semaphore_mem>>) src(%dma_wait3A_104 : memref<512xi32, #tpu.memory_space<hbm>>) dst(%arg9 : memref<512xi32, #tpu.memory_space<vmem>>)
      tpu.yield
    }) : () -> ()
    %dma_start3A_11 = arith.constant 0 : i32
    %dma_start3A_12 = tpu.memref_slice %arg9[%dma_start3A_11] : memref<512xi32, #tpu.memory_space<vmem>> -> memref<32xi32, #tpu.memory_space<vmem>>
    %dma_start3A_13 = arith.constant 0 : i32
    %dma_start3A_14 = arith.constant 0 : i32
    %dma_start3A_15 = tpu.memref_slice %arg4[%dma_start3A_13, %dma_start3A_14] : memref<1000x128xi32, #tpu.memory_space<hbm>> -> memref<1000x128xi32, #tpu.memory_space<hbm>>
    tpu.enqueue_indirect_dma source(%dma_start3A_15 : memref<1000x128xi32, #tpu.memory_space<hbm>>) target(%arg15 : memref<32x128xi32, #tpu.memory_space<vmem>>) offsets(%dma_start3A_12 : memref<32xi32, #tpu.memory_space<vmem>>) semaphore(%arg20 : memref<!tpu.dma_semaphore, #tpu.memory_space<semaphore_mem>>)
    %dma_start3A_16 = arith.constant 0 : i32
    %dma_start3A_17 = tpu.memref_slice %arg2[%dma_start3A_16] : memref<16384xi32, #tpu.memory_space<hbm>> -> memref<1024xi32, #tpu.memory_space<hbm>>
    %dma_start3A_18 = arith.constant 0 : i32
    %dma_start3A_19 = tpu.memref_slice %arg2[%dma_start3A_18] : memref<16384xi32, #tpu.memory_space<hbm>> -> memref<1024xi32, #tpu.memory_space<hbm>>
    tpu.enqueue_dma source(%dma_start3A_19 : memref<1024xi32, #tpu.memory_space<hbm>>) target(%arg7 : memref<1024xi32, #tpu.memory_space<vmem>>) target_semaphore(%arg21 : memref<!tpu.dma_semaphore, #tpu.memory_space<semaphore_mem>>)
    %dma_start3A_20 = arith.constant 1024 : i32
    %dma_start3A_21 = tpu.memref_slice %arg2[%dma_start3A_20] : memref<16384xi32, #tpu.memory_space<hbm>> -> memref<1024xi32, #tpu.memory_space<hbm>>
    %dma_start3A_22 = arith.constant 1024 : i32
    %dma_start3A_23 = tpu.memref_slice %arg2[%dma_start3A_22] : memref<16384xi32, #tpu.memory_space<hbm>> -> memref<1024xi32, #tpu.memory_space<hbm>>
    tpu.enqueue_dma source(%dma_start3A_23 : memref<1024xi32, #tpu.memory_space<hbm>>) target(%arg8 : memref<1024xi32, #tpu.memory_space<vmem>>) target_semaphore(%arg21 : memref<!tpu.dma_semaphore, #tpu.memory_space<semaphore_mem>>)
    %scan3A = arith.constant 0 : i32
    %scan3A_24 = arith.constant 0 : i32
    %scan3A_25 = arith.constant 8 : i32
    %scan3A_26 = arith.addi %scan3A_24, %scan3A_25 : i32
    %scan3A_27 = arith.constant 1 : i32
    %scan3A_28 = scf.for %scan3A_102 = %scan3A_24 to %scan3A_26 step %scan3A_27 iter_args(%scan3A_103 = %scan3A) -> (i32)  : i32 {
      %mul3A_104 = arith.constant 2 : i32
      %mul3A_105 = arith.muli %mul3A_104, %scan3A_102 : i32
      %add3A_106 = arith.constant 0 : i32
      %add3A_107 = arith.addi %mul3A_105, %add3A_106 : i32
      %mul3A_108 = arith.constant 1024 : i32
      %mul3A_109 = arith.muli %add3A_107, %mul3A_108 : i32
      %dma_wait3A = tpu.memref_slice %arg2[%mul3A_109] : memref<16384xi32, #tpu.memory_space<hbm>> -> memref<1024xi32, #tpu.memory_space<hbm>>
      %dma_wait3A_110 = tpu.memref_slice %arg2[%mul3A_109] : memref<16384xi32, #tpu.memory_space<hbm>> -> memref<1024xi32, #tpu.memory_space<hbm>>
      tpu.wait_dma2 semaphore(%arg21 : memref<!tpu.dma_semaphore, #tpu.memory_space<semaphore_mem>>) src(%dma_wait3A_110 : memref<1024xi32, #tpu.memory_space<hbm>>) dst(%arg7 : memref<1024xi32, #tpu.memory_space<vmem>>)
      %scan3A_111 = arith.constant 0 : i32
      %scan3A_112 = arith.constant 64 : i32
      %scan3A_113 = arith.addi %scan3A_111, %scan3A_112 : i32
      %scan3A_114 = arith.constant 1 : i32
      %scan3A_115 = scf.for %scan3A_142 = %scan3A_111 to %scan3A_113 step %scan3A_114 iter_args(%scan3A_143 = %scan3A_103) -> (i32)  : i32 {
        %mul3A_144 = arith.constant 16 : i32
        %mul3A_145 = arith.muli %scan3A_142, %mul3A_144 : i32
        %get3A = arith.index_cast %mul3A_145 : i32 to index
        %get3A_146 = tpu.vector_load %arg7[%get3A] {strides = array<i32>} : memref<1024xi32, #tpu.memory_space<vmem>>, vector<16xi32>,
        %and3A_147 = arith.constant 31 : i32
        %and3A_148 = vector.broadcast %and3A_147 : i32 to vector<16xi32>
        %and3A_149 = arith.andi %get3A_146, %and3A_148 : vector<16xi32>
        %eq3A = vector.broadcast %add3A : i32 to vector<16xi32>
        %eq3A_150 = arith.cmpi eq, %and3A_149, %eq3A : vector<16xi32>
        %convert_element_type3A_151 = arith.extui %eq3A_150 : vector<16xi1> to vector<16xi32>
        %broadcast_in_dim3A = arith.constant true
        %broadcast_in_dim3A_152 = vector.broadcast %broadcast_in_dim3A : i1 to vector<16xi1>
        %masked_cumsum3A = tpu.scan <sum>, %convert_element_type3A_151 masked %broadcast_in_dim3A_152 : vector<16xi32>, vector<16xi1> -> vector<16xi32>
        %add3A_153 = vector.broadcast %scan3A_143 : i32 to vector<16xi32>
        %add3A_154 = arith.addi %add3A_153, %masked_cumsum3A : vector<16xi32>
        %sub3A_155 = arith.constant 1 : i32
        %sub3A_156 = vector.broadcast %sub3A_155 : i32 to vector<16xi32>
        %sub3A_157 = arith.subi %add3A_154, %sub3A_156 : vector<16xi32>
        %lt3A_158 = arith.constant 1024 : i32
        %lt3A_159 = vector.broadcast %lt3A_158 : i32 to vector<16xi32>
        %lt3A_160 = arith.cmpi slt, %sub3A_157, %lt3A_159 : vector<16xi32>
        %and3A_161 = arith.andi %eq3A_150, %lt3A_160 : vector<16xi1>
        %shift_left3A = arith.constant 14 : i32
        %shift_left3A_162 = vector.broadcast %shift_left3A : i32 to vector<16xi32>
        %shift_left3A_163 = arith.shli %get3A_146, %shift_left3A_162 : vector<16xi32>
        %mul3A_164 = arith.constant 1024 : i32
        %mul3A_165 = arith.muli %add3A_107, %mul3A_164 : i32
        %mul3A_166 = arith.constant 16 : i32
        %mul3A_167 = arith.muli %scan3A_142, %mul3A_166 : i32
        %add3A_168 = arith.addi %mul3A_165, %mul3A_167 : i32
        %add3A_169 = vector.broadcast %add3A_168 : i32 to vector<16xi32>
        %add3A_170 = arith.addi %add3A_169, %iota3A : vector<16xi32>
        %or3A = arith.ori %shift_left3A_163, %add3A_170 : vector<16xi32>
        tpu.vector_store_idx %arg10[%sub3A_157], %or3A masked %and3A_161 : memref<1024xi32, #tpu.memory_space<vmem>>[vector<16xi32>], vector<16xi32>, vector<16xi1>
        %reduce_sum3A = arith.constant true
        %reduce_sum3A_171 = vector.broadcast %reduce_sum3A : i1 to vector<16xi1>
        %reduce_sum3A_172 = tpu.scan <sum>, %convert_element_type3A_151 masked %reduce_sum3A_171 : vector<16xi32>, vector<16xi1> -> vector<16xi32>
        %reduce_sum3A_173 = vector.extract %reduce_sum3A_172[15] : i32 from vector<16xi32>
        %add3A_174 = arith.addi %scan3A_143, %reduce_sum3A_173 : i32
        scf.yield %add3A_174 : i32
      }
      %scan3A_116 = arith.constant 64 : i32
      %add3A_117 = arith.constant 2 : i32
      %add3A_118 = arith.addi %add3A_107, %add3A_117 : i32
      %lt3A = arith.constant 16 : i32
      %lt3A_119 = arith.cmpi slt, %add3A_118, %lt3A : i32
      %convert_element_type3A = arith.extui %lt3A_119 : i1 to i32
      %cond3A = arith.constant 0 : i32
      %cond3A_120 = arith.cmpi ne, %convert_element_type3A, %cond3A : i32
      scf.if %cond3A_120 {
        %add3A_142 = arith.constant 2 : i32
        %add3A_143 = arith.addi %add3A_107, %add3A_142 : i32
        %mul3A_144 = arith.constant 1024 : i32
        %mul3A_145 = arith.muli %add3A_143, %mul3A_144 : i32
        %dma_start3A_146 = tpu.memref_slice %arg2[%mul3A_145] : memref<16384xi32, #tpu.memory_space<hbm>> -> memref<1024xi32, #tpu.memory_space<hbm>>
        %dma_start3A_147 = tpu.memref_slice %arg2[%mul3A_145] : memref<16384xi32, #tpu.memory_space<hbm>> -> memref<1024xi32, #tpu.memory_space<hbm>>
        tpu.enqueue_dma source(%dma_start3A_147 : memref<1024xi32, #tpu.memory_space<hbm>>) target(%arg7 : memref<1024xi32, #tpu.memory_space<vmem>>) target_semaphore(%arg21 : memref<!tpu.dma_semaphore, #tpu.memory_space<semaphore_mem>>)
      } else {
      }
      %mul3A_121 = arith.constant 2 : i32
      %mul3A_122 = arith.muli %mul3A_121, %scan3A_102 : i32
      %add3A_123 = arith.constant 1 : i32
      %add3A_124 = arith.addi %mul3A_122, %add3A_123 : i32
      %mul3A_125 = arith.constant 1024 : i32
      %mul3A_126 = arith.muli %add3A_124, %mul3A_125 : i32
      %dma_wait3A_127 = tpu.memref_slice %arg2[%mul3A_126] : memref<16384xi32, #tpu.memory_space<hbm>> -> memref<1024xi32, #tpu.memory_space<hbm>>
      %dma_wait3A_128 = tpu.memref_slice %arg2[%mul3A_126] : memref<16384xi32, #tpu.memory_space<hbm>> -> memref<1024xi32, #tpu.memory_space<hbm>>
      tpu.wait_dma2 semaphore(%arg21 : memref<!tpu.dma_semaphore, #tpu.memory_space<semaphore_mem>>) src(%dma_wait3A_128 : memref<1024xi32, #tpu.memory_space<hbm>>) dst(%arg8 : memref<1024xi32, #tpu.memory_space<vmem>>)
      %scan3A_129 = arith.constant 0 : i32
      %scan3A_130 = arith.constant 64 : i32
      %scan3A_131 = arith.addi %scan3A_129, %scan3A_130 : i32
      %scan3A_132 = arith.constant 1 : i32
      %scan3A_133 = scf.for %scan3A_142 = %scan3A_129 to %scan3A_131 step %scan3A_132 iter_args(%scan3A_143 = %scan3A_115) -> (i32)  : i32 {
        %mul3A_144 = arith.constant 16 : i32
        %mul3A_145 = arith.muli %scan3A_142, %mul3A_144 : i32
        %get3A = arith.index_cast %mul3A_145 : i32 to index
        %get3A_146 = tpu.vector_load %arg8[%get3A] {strides = array<i32>} : memref<1024xi32, #tpu.memory_space<vmem>>, vector<16xi32>,
        %and3A_147 = arith.constant 31 : i32
        %and3A_148 = vector.broadcast %and3A_147 : i32 to vector<16xi32>
        %and3A_149 = arith.andi %get3A_146, %and3A_148 : vector<16xi32>
        %eq3A = vector.broadcast %add3A : i32 to vector<16xi32>
        %eq3A_150 = arith.cmpi eq, %and3A_149, %eq3A : vector<16xi32>
        %convert_element_type3A_151 = arith.extui %eq3A_150 : vector<16xi1> to vector<16xi32>
        %broadcast_in_dim3A = arith.constant true
        %broadcast_in_dim3A_152 = vector.broadcast %broadcast_in_dim3A : i1 to vector<16xi1>
        %masked_cumsum3A = tpu.scan <sum>, %convert_element_type3A_151 masked %broadcast_in_dim3A_152 : vector<16xi32>, vector<16xi1> -> vector<16xi32>
        %add3A_153 = vector.broadcast %scan3A_143 : i32 to vector<16xi32>
        %add3A_154 = arith.addi %add3A_153, %masked_cumsum3A : vector<16xi32>
        %sub3A_155 = arith.constant 1 : i32
        %sub3A_156 = vector.broadcast %sub3A_155 : i32 to vector<16xi32>
        %sub3A_157 = arith.subi %add3A_154, %sub3A_156 : vector<16xi32>
        %lt3A_158 = arith.constant 1024 : i32
        %lt3A_159 = vector.broadcast %lt3A_158 : i32 to vector<16xi32>
        %lt3A_160 = arith.cmpi slt, %sub3A_157, %lt3A_159 : vector<16xi32>
        %and3A_161 = arith.andi %eq3A_150, %lt3A_160 : vector<16xi1>
        %shift_left3A = arith.constant 14 : i32
        %shift_left3A_162 = vector.broadcast %shift_left3A : i32 to vector<16xi32>
        %shift_left3A_163 = arith.shli %get3A_146, %shift_left3A_162 : vector<16xi32>
        %mul3A_164 = arith.constant 1024 : i32
        %mul3A_165 = arith.muli %add3A_124, %mul3A_164 : i32
        %mul3A_166 = arith.constant 16 : i32
        %mul3A_167 = arith.muli %scan3A_142, %mul3A_166 : i32
        %add3A_168 = arith.addi %mul3A_165, %mul3A_167 : i32
        %add3A_169 = vector.broadcast %add3A_168 : i32 to vector<16xi32>
        %add3A_170 = arith.addi %add3A_169, %iota3A : vector<16xi32>
        %or3A = arith.ori %shift_left3A_163, %add3A_170 : vector<16xi32>
        tpu.vector_store_idx %arg10[%sub3A_157], %or3A masked %and3A_161 : memref<1024xi32, #tpu.memory_space<vmem>>[vector<16xi32>], vector<16xi32>, vector<16xi1>
        %reduce_sum3A = arith.constant true
        %reduce_sum3A_171 = vector.broadcast %reduce_sum3A : i1 to vector<16xi1>
        %reduce_sum3A_172 = tpu.scan <sum>, %convert_element_type3A_151 masked %reduce_sum3A_171 : vector<16xi32>, vector<16xi1> -> vector<16xi32>
        %reduce_sum3A_173 = vector.extract %reduce_sum3A_172[15] : i32 from vector<16xi32>
        %add3A_174 = arith.addi %scan3A_143, %reduce_sum3A_173 : i32
        scf.yield %add3A_174 : i32
      }
      %scan3A_134 = arith.constant 64 : i32
      %add3A_135 = arith.constant 2 : i32
      %add3A_136 = arith.addi %add3A_124, %add3A_135 : i32
      %lt3A_137 = arith.constant 16 : i32
      %lt3A_138 = arith.cmpi slt, %add3A_136, %lt3A_137 : i32
      %convert_element_type3A_139 = arith.extui %lt3A_138 : i1 to i32
      %cond3A_140 = arith.constant 0 : i32
      %cond3A_141 = arith.cmpi ne, %convert_element_type3A_139, %cond3A_140 : i32
      scf.if %cond3A_141 {
        %add3A_142 = arith.constant 2 : i32
        %add3A_143 = arith.addi %add3A_124, %add3A_142 : i32
        %mul3A_144 = arith.constant 1024 : i32
        %mul3A_145 = arith.muli %add3A_143, %mul3A_144 : i32
        %dma_start3A_146 = tpu.memref_slice %arg2[%mul3A_145] : memref<16384xi32, #tpu.memory_space<hbm>> -> memref<1024xi32, #tpu.memory_space<hbm>>
        %dma_start3A_147 = tpu.memref_slice %arg2[%mul3A_145] : memref<16384xi32, #tpu.memory_space<hbm>> -> memref<1024xi32, #tpu.memory_space<hbm>>
        tpu.enqueue_dma source(%dma_start3A_147 : memref<1024xi32, #tpu.memory_space<hbm>>) target(%arg8 : memref<1024xi32, #tpu.memory_space<vmem>>) target_semaphore(%arg21 : memref<!tpu.dma_semaphore, #tpu.memory_space<semaphore_mem>>)
      } else {
      }
      scf.yield %scan3A_133 : i32
    }
    %scan3A_29 = arith.constant 8 : i32
    %min3A_30 = arith.constant 1024 : i32
    %min3A_31 = arith.minsi %scan3A_28, %min3A_30 : i32
    %add3A_32 = arith.constant 15 : i32
    %add3A_33 = arith.addi %min3A_31, %add3A_32 : i32
    %jit3A = arith.constant 16 : i32
    %div3A = arith.divsi %add3A_33, %jit3A : i32
    %sign3A = arith.constant 0 : i32
    %sign3A_34 = arith.cmpi sgt, %add3A_33, %sign3A : i32
    %sign3A_35 = arith.extui %sign3A_34 : i1 to i32
    %sign3A_36 = arith.constant 0 : i32
    %sign3A_37 = arith.cmpi slt, %add3A_33, %sign3A_36 : i32
    %sign3A_38 = arith.extui %sign3A_37 : i1 to i32
    %sign3A_39 = arith.subi %sign3A_35, %sign3A_38 : i32
    %sign3A_40 = arith.constant 0 : i32
    %sign3A_41 = arith.cmpi sgt, %jit3A, %sign3A_40 : i32
    %sign3A_42 = arith.extui %sign3A_41 : i1 to i32
    %sign3A_43 = arith.constant 0 : i32
    %sign3A_44 = arith.cmpi slt, %jit3A, %sign3A_43 : i32
    %sign3A_45 = arith.extui %sign3A_44 : i1 to i32
    %sign3A_46 = arith.subi %sign3A_42, %sign3A_45 : i32
    %ne3A = arith.cmpi ne, %sign3A_39, %sign3A_46 : i32
    %rem3A = arith.remsi %add3A_33, %jit3A : i32
    %ne3A_47 = arith.constant 0 : i32
    %ne3A_48 = arith.cmpi ne, %rem3A, %ne3A_47 : i32
    %and3A = arith.andi %ne3A, %ne3A_48 : i1
    %sub3A = arith.constant 1 : i32
    %sub3A_49 = arith.subi %div3A, %sub3A : i32
    %select_n3A = arith.select %and3A, %sub3A_49, %div3A : i32
    %add3A_50 = arith.constant 0 : i32
    %add3A_51 = arith.addi %add3A, %add3A_50 : i32
    %min3A_52 = arith.constant 999 : i32
    %min3A_53 = arith.minsi %add3A_51, %min3A_52 : i32
    %while3A = arith.constant 0 : i32
    %while3A_54 = arith.constant 0 : i32
    %while3A_55 = arith.subi %select_n3A, %while3A : i32
    %while3A_56 = arith.addi %while3A, %while3A_55 : i32
    %while3A_57 = arith.constant 1 : i32
    %while3A_58 = arith.divsi %while3A_55, %while3A_57 : i32
    %while3A_59 = arith.muli %while3A_58, %while3A_57 : i32
    %while3A_60 = arith.addi %while3A, %while3A_59 : i32
    %while3A_61 = arith.constant 1 : i32
    %while3A_62 = scf.for %while3A_102 = %while3A to %while3A_60 step %while3A_61 iter_args(%while3A_103 = %while3A_54) -> (i32)  : i32 {
      %mul3A_104 = arith.constant 16 : i32
      %mul3A_105 = arith.muli %while3A_102, %mul3A_104 : i32
      %get3A = arith.index_cast %mul3A_105 : i32 to index
      %get3A_106 = tpu.vector_load %arg10[%get3A] {strides = array<i32>} : memref<1024xi32, #tpu.memory_space<vmem>>, vector<16xi32>,
      %shift_right_arithmetic3A = arith.constant 14 : i32
      %shift_right_arithmetic3A_107 = vector.broadcast %shift_right_arithmetic3A : i32 to vector<16xi32>
      %shift_right_arithmetic3A_108 = arith.shrsi %get3A_106, %shift_right_arithmetic3A_107 : vector<16xi32>
      %eq3A = vector.broadcast %min3A_53 : i32 to vector<16xi32>
      %eq3A_109 = arith.cmpi eq, %shift_right_arithmetic3A_108, %eq3A : vector<16xi32>
      %mul3A_110 = arith.constant 16 : i32
      %mul3A_111 = arith.muli %while3A_102, %mul3A_110 : i32
      %add3A_112 = vector.broadcast %mul3A_111 : i32 to vector<16xi32>
      %add3A_113 = arith.addi %add3A_112, %iota3A : vector<16xi32>
      %lt3A = vector.broadcast %min3A_31 : i32 to vector<16xi32>
      %lt3A_114 = arith.cmpi slt, %add3A_113, %lt3A : vector<16xi32>
      %and3A_115 = arith.andi %eq3A_109, %lt3A_114 : vector<16xi1>
      %convert_element_type3A = arith.extui %and3A_115 : vector<16xi1> to vector<16xi32>
      %broadcast_in_dim3A = arith.constant true
      %broadcast_in_dim3A_116 = vector.broadcast %broadcast_in_dim3A : i1 to vector<16xi1>
      %masked_cumsum3A = tpu.scan <sum>, %convert_element_type3A masked %broadcast_in_dim3A_116 : vector<16xi32>, vector<16xi1> -> vector<16xi32>
      %add3A_117 = vector.broadcast %while3A_103 : i32 to vector<16xi32>
      %add3A_118 = arith.addi %add3A_117, %masked_cumsum3A : vector<16xi32>
      %sub3A_119 = arith.constant 1 : i32
      %sub3A_120 = vector.broadcast %sub3A_119 : i32 to vector<16xi32>
      %sub3A_121 = arith.subi %add3A_118, %sub3A_120 : vector<16xi32>
      %lt3A_122 = arith.constant 64 : i32
      %lt3A_123 = vector.broadcast %lt3A_122 : i32 to vector<16xi32>
      %lt3A_124 = arith.cmpi slt, %sub3A_121, %lt3A_123 : vector<16xi32>
      %and3A_125 = arith.andi %and3A_115, %lt3A_124 : vector<16xi1>
      %and3A_126 = arith.constant 16383 : i32
      %and3A_127 = vector.broadcast %and3A_126 : i32 to vector<16xi32>
      %and3A_128 = arith.andi %get3A_106, %and3A_127 : vector<16xi32>
      tpu.vector_store_idx %arg11[%sub3A_121], %and3A_128 masked %and3A_125 : memref<64xi32, #tpu.memory_space<vmem>>[vector<16xi32>], vector<16xi32>, vector<16xi1>
      %reduce_sum3A = arith.constant true
      %reduce_sum3A_129 = vector.broadcast %reduce_sum3A : i1 to vector<16xi1>
      %reduce_sum3A_130 = tpu.scan <sum>, %convert_element_type3A masked %reduce_sum3A_129 : vector<16xi32>, vector<16xi1> -> vector<16xi32>
      %reduce_sum3A_131 = vector.extract %reduce_sum3A_130[15] : i32 from vector<16xi32>
      %add3A_132 = arith.addi %while3A_103, %reduce_sum3A_131 : i32
      scf.yield %add3A_132 : i32
    }
    %while3A_63 = arith.constant 1 : i32
    %while3A_64 = scf.for %while3A_102 = %while3A_60 to %while3A_56 step %while3A_63 iter_args(%while3A_103 = %while3A_62) -> (i32)  : i32 {
      %mul3A_104 = arith.constant 16 : i32
      %mul3A_105 = arith.muli %while3A_102, %mul3A_104 : i32
      %get3A = arith.index_cast %mul3A_105 : i32 to index
      %get3A_106 = tpu.vector_load %arg10[%get3A] {strides = array<i32>} : memref<1024xi32, #tpu.memory_space<vmem>>, vector<16xi32>,
      %shift_right_arithmetic3A = arith.constant 14 : i32
      %shift_right_arithmetic3A_107 = vector.broadcast %shift_right_arithmetic3A : i32 to vector<16xi32>
      %shift_right_arithmetic3A_108 = arith.shrsi %get3A_106, %shift_right_arithmetic3A_107 : vector<16xi32>
      %eq3A = vector.broadcast %min3A_53 : i32 to vector<16xi32>
      %eq3A_109 = arith.cmpi eq, %shift_right_arithmetic3A_108, %eq3A : vector<16xi32>
      %mul3A_110 = arith.constant 16 : i32
      %mul3A_111 = arith.muli %while3A_102, %mul3A_110 : i32
      %add3A_112 = vector.broadcast %mul3A_111 : i32 to vector<16xi32>
      %add3A_113 = arith.addi %add3A_112, %iota3A : vector<16xi32>
      %lt3A = vector.broadcast %min3A_31 : i32 to vector<16xi32>
      %lt3A_114 = arith.cmpi slt, %add3A_113, %lt3A : vector<16xi32>
      %and3A_115 = arith.andi %eq3A_109, %lt3A_114 : vector<16xi1>
      %convert_element_type3A = arith.extui %and3A_115 : vector<16xi1> to vector<16xi32>
      %broadcast_in_dim3A = arith.constant true
      %broadcast_in_dim3A_116 = vector.broadcast %broadcast_in_dim3A : i1 to vector<16xi1>
      %masked_cumsum3A = tpu.scan <sum>, %convert_element_type3A masked %broadcast_in_dim3A_116 : vector<16xi32>, vector<16xi1> -> vector<16xi32>
      %add3A_117 = vector.broadcast %while3A_103 : i32 to vector<16xi32>
      %add3A_118 = arith.addi %add3A_117, %masked_cumsum3A : vector<16xi32>
      %sub3A_119 = arith.constant 1 : i32
      %sub3A_120 = vector.broadcast %sub3A_119 : i32 to vector<16xi32>
      %sub3A_121 = arith.subi %add3A_118, %sub3A_120 : vector<16xi32>
      %lt3A_122 = arith.constant 64 : i32
      %lt3A_123 = vector.broadcast %lt3A_122 : i32 to vector<16xi32>
      %lt3A_124 = arith.cmpi slt, %sub3A_121, %lt3A_123 : vector<16xi32>
      %and3A_125 = arith.andi %and3A_115, %lt3A_124 : vector<16xi1>
      %and3A_126 = arith.constant 16383 : i32
      %and3A_127 = vector.broadcast %and3A_126 : i32 to vector<16xi32>
      %and3A_128 = arith.andi %get3A_106, %and3A_127 : vector<16xi32>
      tpu.vector_store_idx %arg11[%sub3A_121], %and3A_128 masked %and3A_125 : memref<64xi32, #tpu.memory_space<vmem>>[vector<16xi32>], vector<16xi32>, vector<16xi1>
      %reduce_sum3A = arith.constant true
      %reduce_sum3A_129 = vector.broadcast %reduce_sum3A : i1 to vector<16xi1>
      %reduce_sum3A_130 = tpu.scan <sum>, %convert_element_type3A masked %reduce_sum3A_129 : vector<16xi32>, vector<16xi1> -> vector<16xi32>
      %reduce_sum3A_131 = vector.extract %reduce_sum3A_130[15] : i32 from vector<16xi32>
      %add3A_132 = arith.addi %while3A_103, %reduce_sum3A_131 : i32
      scf.yield %add3A_132 : i32
    }
    %min3A_65 = arith.constant 64 : i32
    %min3A_66 = arith.minsi %while3A_64, %min3A_65 : i32
    %add3A_67 = arith.constant 32 : i32
    %add3A_68 = arith.addi %add3A, %add3A_67 : i32
    %min3A_69 = arith.constant 999 : i32
    %min3A_70 = arith.minsi %add3A_68, %min3A_69 : i32
    %while3A_71 = arith.constant 0 : i32
    %while3A_72 = arith.constant 0 : i32
    %while3A_73 = arith.subi %select_n3A, %while3A_71 : i32
    %while3A_74 = arith.addi %while3A_71, %while3A_73 : i32
    %while3A_75 = arith.constant 1 : i32
    %while3A_76 = arith.divsi %while3A_73, %while3A_75 : i32
    %while3A_77 = arith.muli %while3A_76, %while3A_75 : i32
    %while3A_78 = arith.addi %while3A_71, %while3A_77 : i32
    %while3A_79 = arith.constant 1 : i32
    %while3A_80 = scf.for %while3A_102 = %while3A_71 to %while3A_78 step %while3A_79 iter_args(%while3A_103 = %while3A_72) -> (i32)  : i32 {
      %mul3A_104 = arith.constant 16 : i32
      %mul3A_105 = arith.muli %while3A_102, %mul3A_104 : i32
      %get3A = arith.index_cast %mul3A_105 : i32 to index
      %get3A_106 = tpu.vector_load %arg10[%get3A] {strides = array<i32>} : memref<1024xi32, #tpu.memory_space<vmem>>, vector<16xi32>,
      %shift_right_arithmetic3A = arith.constant 14 : i32
      %shift_right_arithmetic3A_107 = vector.broadcast %shift_right_arithmetic3A : i32 to vector<16xi32>
      %shift_right_arithmetic3A_108 = arith.shrsi %get3A_106, %shift_right_arithmetic3A_107 : vector<16xi32>
      %eq3A = vector.broadcast %min3A_70 : i32 to vector<16xi32>
      %eq3A_109 = arith.cmpi eq, %shift_right_arithmetic3A_108, %eq3A : vector<16xi32>
      %mul3A_110 = arith.constant 16 : i32
      %mul3A_111 = arith.muli %while3A_102, %mul3A_110 : i32
      %add3A_112 = vector.broadcast %mul3A_111 : i32 to vector<16xi32>
      %add3A_113 = arith.addi %add3A_112, %iota3A : vector<16xi32>
      %lt3A = vector.broadcast %min3A_31 : i32 to vector<16xi32>
      %lt3A_114 = arith.cmpi slt, %add3A_113, %lt3A : vector<16xi32>
      %and3A_115 = arith.andi %eq3A_109, %lt3A_114 : vector<16xi1>
      %convert_element_type3A = arith.extui %and3A_115 : vector<16xi1> to vector<16xi32>
      %broadcast_in_dim3A = arith.constant true
      %broadcast_in_dim3A_116 = vector.broadcast %broadcast_in_dim3A : i1 to vector<16xi1>
      %masked_cumsum3A = tpu.scan <sum>, %convert_element_type3A masked %broadcast_in_dim3A_116 : vector<16xi32>, vector<16xi1> -> vector<16xi32>
      %add3A_117 = vector.broadcast %while3A_103 : i32 to vector<16xi32>
      %add3A_118 = arith.addi %add3A_117, %masked_cumsum3A : vector<16xi32>
      %sub3A_119 = arith.constant 1 : i32
      %sub3A_120 = vector.broadcast %sub3A_119 : i32 to vector<16xi32>
      %sub3A_121 = arith.subi %add3A_118, %sub3A_120 : vector<16xi32>
      %lt3A_122 = arith.constant 64 : i32
      %lt3A_123 = vector.broadcast %lt3A_122 : i32 to vector<16xi32>
      %lt3A_124 = arith.cmpi slt, %sub3A_121, %lt3A_123 : vector<16xi32>
      %and3A_125 = arith.andi %and3A_115, %lt3A_124 : vector<16xi1>
      %and3A_126 = arith.constant 16383 : i32
      %and3A_127 = vector.broadcast %and3A_126 : i32 to vector<16xi32>
      %and3A_128 = arith.andi %get3A_106, %and3A_127 : vector<16xi32>
      tpu.vector_store_idx %arg12[%sub3A_121], %and3A_128 masked %and3A_125 : memref<64xi32, #tpu.memory_space<vmem>>[vector<16xi32>], vector<16xi32>, vector<16xi1>
      %reduce_sum3A = arith.constant true
      %reduce_sum3A_129 = vector.broadcast %reduce_sum3A : i1 to vector<16xi1>
      %reduce_sum3A_130 = tpu.scan <sum>, %convert_element_type3A masked %reduce_sum3A_129 : vector<16xi32>, vector<16xi1> -> vector<16xi32>
      %reduce_sum3A_131 = vector.extract %reduce_sum3A_130[15] : i32 from vector<16xi32>
      %add3A_132 = arith.addi %while3A_103, %reduce_sum3A_131 : i32
      scf.yield %add3A_132 : i32
    }
    %while3A_81 = arith.constant 1 : i32
    %while3A_82 = scf.for %while3A_102 = %while3A_78 to %while3A_74 step %while3A_81 iter_args(%while3A_103 = %while3A_80) -> (i32)  : i32 {
      %mul3A_104 = arith.constant 16 : i32
      %mul3A_105 = arith.muli %while3A_102, %mul3A_104 : i32
      %get3A = arith.index_cast %mul3A_105 : i32 to index
      %get3A_106 = tpu.vector_load %arg10[%get3A] {strides = array<i32>} : memref<1024xi32, #tpu.memory_space<vmem>>, vector<16xi32>,
      %shift_right_arithmetic3A = arith.constant 14 : i32
      %shift_right_arithmetic3A_107 = vector.broadcast %shift_right_arithmetic3A : i32 to vector<16xi32>
      %shift_right_arithmetic3A_108 = arith.shrsi %get3A_106, %shift_right_arithmetic3A_107 : vector<16xi32>
      %eq3A = vector.broadcast %min3A_70 : i32 to vector<16xi32>
      %eq3A_109 = arith.cmpi eq, %shift_right_arithmetic3A_108, %eq3A : vector<16xi32>
      %mul3A_110 = arith.constant 16 : i32
      %mul3A_111 = arith.muli %while3A_102, %mul3A_110 : i32
      %add3A_112 = vector.broadcast %mul3A_111 : i32 to vector<16xi32>
      %add3A_113 = arith.addi %add3A_112, %iota3A : vector<16xi32>
      %lt3A = vector.broadcast %min3A_31 : i32 to vector<16xi32>
      %lt3A_114 = arith.cmpi slt, %add3A_113, %lt3A : vector<16xi32>
      %and3A_115 = arith.andi %eq3A_109, %lt3A_114 : vector<16xi1>
      %convert_element_type3A = arith.extui %and3A_115 : vector<16xi1> to vector<16xi32>
      %broadcast_in_dim3A = arith.constant true
      %broadcast_in_dim3A_116 = vector.broadcast %broadcast_in_dim3A : i1 to vector<16xi1>
      %masked_cumsum3A = tpu.scan <sum>, %convert_element_type3A masked %broadcast_in_dim3A_116 : vector<16xi32>, vector<16xi1> -> vector<16xi32>
      %add3A_117 = vector.broadcast %while3A_103 : i32 to vector<16xi32>
      %add3A_118 = arith.addi %add3A_117, %masked_cumsum3A : vector<16xi32>
      %sub3A_119 = arith.constant 1 : i32
      %sub3A_120 = vector.broadcast %sub3A_119 : i32 to vector<16xi32>
      %sub3A_121 = arith.subi %add3A_118, %sub3A_120 : vector<16xi32>
      %lt3A_122 = arith.constant 64 : i32
      %lt3A_123 = vector.broadcast %lt3A_122 : i32 to vector<16xi32>
      %lt3A_124 = arith.cmpi slt, %sub3A_121, %lt3A_123 : vector<16xi32>
      %and3A_125 = arith.andi %and3A_115, %lt3A_124 : vector<16xi1>
      %and3A_126 = arith.constant 16383 : i32
      %and3A_127 = vector.broadcast %and3A_126 : i32 to vector<16xi32>
      %and3A_128 = arith.andi %get3A_106, %and3A_127 : vector<16xi32>
      tpu.vector_store_idx %arg12[%sub3A_121], %and3A_128 masked %and3A_125 : memref<64xi32, #tpu.memory_space<vmem>>[vector<16xi32>], vector<16xi32>, vector<16xi1>
      %reduce_sum3A = arith.constant true
      %reduce_sum3A_129 = vector.broadcast %reduce_sum3A : i1 to vector<16xi1>
      %reduce_sum3A_130 = tpu.scan <sum>, %convert_element_type3A masked %reduce_sum3A_129 : vector<16xi32>, vector<16xi1> -> vector<16xi32>
      %reduce_sum3A_131 = vector.extract %reduce_sum3A_130[15] : i32 from vector<16xi32>
      %add3A_132 = arith.addi %while3A_103, %reduce_sum3A_131 : i32
      scf.yield %add3A_132 : i32
    }
    %min3A_83 = arith.constant 64 : i32
    %min3A_84 = arith.minsi %while3A_82, %min3A_83 : i32
    %scan3A_85 = arith.constant 0 : i32
    %scan3A_86 = arith.constant 0 : i32
    %scan3A_87 = arith.constant 16 : i32
    %scan3A_88 = arith.addi %scan3A_86, %scan3A_87 : i32
    %scan3A_89 = arith.constant 1 : i32
    %scan3A_90:3 = scf.for %scan3A_102 = %scan3A_86 to %scan3A_88 step %scan3A_89 iter_args(%scan3A_103 = %min3A_66, %scan3A_104 = %min3A_84, %scan3A_105 = %scan3A_85) -> (i32, i32, i32)  : i32 {
      %mul3A_106 = arith.constant 2 : i32
      %mul3A_107 = arith.muli %mul3A_106, %scan3A_102 : i32
      %add3A_108 = arith.constant 0 : i32
      %add3A_109 = arith.addi %mul3A_107, %add3A_108 : i32
      %mul3A_110 = arith.constant 32 : i32
      %mul3A_111 = arith.muli %mul3A_110, %add3A_109 : i32
      %add3A_112 = arith.addi %add3A, %mul3A_111 : i32
      %min3A_113 = arith.constant 999 : i32
      %min3A_114 = arith.minsi %add3A_112, %min3A_113 : i32
      %dma_wait3A = arith.constant 0 : i32
      %dma_wait3A_115 = arith.constant 0 : i32
      %dma_wait3A_116 = tpu.memref_slice %arg3[%min3A_114, %dma_wait3A, %dma_wait3A_115] : memref<1000x32x768xf32, #tpu.memory_space<hbm>> -> memref<1x32x768xf32, #tpu.memory_space<hbm>>
      %dma_wait3A_117 = arith.constant 0 : i32
      %dma_wait3A_118 = arith.constant 0 : i32
      %dma_wait3A_119 = tpu.memref_slice %arg3[%min3A_114, %dma_wait3A_117, %dma_wait3A_118] : memref<1000x32x768xf32, #tpu.memory_space<hbm>> -> memref<1x32x768xf32, #tpu.memory_space<hbm>>
      tpu.wait_dma2 semaphore(%arg16 : memref<!tpu.dma_semaphore, #tpu.memory_space<semaphore_mem>>) src(%dma_wait3A_119 : memref<1x32x768xf32, #tpu.memory_space<hbm>>) dst(%arg13 : memref<1x32x768xf32, #tpu.memory_space<vmem>>)
      %while3A_120 = arith.constant 0 : i32
      %while3A_121 = arith.constant 0 : i32
      %while3A_122 = arith.subi %scan3A_103, %while3A_121 : i32
      %while3A_123 = arith.addi %while3A_121, %while3A_122 : i32
      %while3A_124 = arith.constant 1 : i32
      %while3A_125 = arith.divsi %while3A_122, %while3A_124 : i32
      %while3A_126 = arith.muli %while3A_125, %while3A_124 : i32
      %while3A_127 = arith.addi %while3A_121, %while3A_126 : i32
      %while3A_128 = arith.constant 1 : i32
      scf.for %while3A_238 = %while3A_121 to %while3A_127 step %while3A_128  : i32 {
        %jit3A_239 = arith.constant 16 : i32
        %div3A_240 = arith.divsi %while3A_238, %jit3A_239 : i32
        %sign3A_241 = arith.constant 0 : i32
        %sign3A_242 = arith.cmpi sgt, %while3A_238, %sign3A_241 : i32
        %sign3A_243 = arith.extui %sign3A_242 : i1 to i32
        %sign3A_244 = arith.constant 0 : i32
        %sign3A_245 = arith.cmpi slt, %while3A_238, %sign3A_244 : i32
        %sign3A_246 = arith.extui %sign3A_245 : i1 to i32
        %sign3A_247 = arith.subi %sign3A_243, %sign3A_246 : i32
        %sign3A_248 = arith.constant 0 : i32
        %sign3A_249 = arith.cmpi sgt, %jit3A_239, %sign3A_248 : i32
        %sign3A_250 = arith.extui %sign3A_249 : i1 to i32
        %sign3A_251 = arith.constant 0 : i32
        %sign3A_252 = arith.cmpi slt, %jit3A_239, %sign3A_251 : i32
        %sign3A_253 = arith.extui %sign3A_252 : i1 to i32
        %sign3A_254 = arith.subi %sign3A_250, %sign3A_253 : i32
        %ne3A_255 = arith.cmpi ne, %sign3A_247, %sign3A_254 : i32
        %rem3A_256 = arith.remsi %while3A_238, %jit3A_239 : i32
        %ne3A_257 = arith.constant 0 : i32
        %ne3A_258 = arith.cmpi ne, %rem3A_256, %ne3A_257 : i32
        %and3A_259 = arith.andi %ne3A_255, %ne3A_258 : i1
        %sub3A_260 = arith.constant 1 : i32
        %sub3A_261 = arith.subi %div3A_240, %sub3A_260 : i32
        %select_n3A_262 = arith.select %and3A_259, %sub3A_261, %div3A_240 : i32
        %mul3A_263 = arith.constant 16 : i32
        %mul3A_264 = arith.muli %select_n3A_262, %mul3A_263 : i32
        %get3A = arith.index_cast %mul3A_264 : i32 to index
        %get3A_265 = tpu.vector_load %arg11[%get3A] {strides = array<i32>} : memref<64xi32, #tpu.memory_space<vmem>>, vector<16xi32>,
        %jit3A_266 = arith.constant 16 : i32
        %eq3A = arith.constant 0 : i32
        %eq3A_267 = arith.cmpi eq, %jit3A_266, %eq3A : i32
        %jit3A_268 = arith.constant 1 : i32
        %select_n3A_269 = arith.select %eq3A_267, %jit3A_268, %jit3A_266 : i32
        %rem3A_270 = arith.remsi %while3A_238, %select_n3A_269 : i32
        %ne3A_271 = arith.constant 0 : i32
        %ne3A_272 = arith.cmpi ne, %rem3A_270, %ne3A_271 : i32
        %lt3A_273 = arith.constant 0 : i32
        %lt3A_274 = arith.cmpi slt, %rem3A_270, %lt3A_273 : i32
        %lt3A_275 = arith.constant 0 : i32
        %lt3A_276 = arith.cmpi slt, %select_n3A_269, %lt3A_275 : i32
        %ne3A_277 = arith.xori %lt3A_274, %lt3A_276 : i1
        %and3A_278 = arith.andi %ne3A_277, %ne3A_272 : i1
        %add3A_279 = arith.addi %rem3A_270, %select_n3A_269 : i32
        %select_n3A_280 = arith.select %and3A_278, %add3A_279, %rem3A_270 : i32
        %eq3A_281 = vector.broadcast %select_n3A_280 : i32 to vector<16xi32>
        %eq3A_282 = arith.cmpi eq, %iota3A, %eq3A_281 : vector<16xi32>
        %jit3A_283 = arith.constant 0 : i32
        %broadcast_in_dim3A = vector.broadcast %jit3A_283 : i32 to vector<16xi32>
        %select_n3A_284 = arith.select %eq3A_282, %get3A_265, %broadcast_in_dim3A : vector<16xi1>, vector<16xi32>
        %reduce_sum3A = arith.constant true
        %reduce_sum3A_285 = vector.broadcast %reduce_sum3A : i1 to vector<16xi1>
        %reduce_sum3A_286 = tpu.scan <sum>, %select_n3A_284 masked %reduce_sum3A_285 : vector<16xi32>, vector<16xi1> -> vector<16xi32>
        %reduce_sum3A_287 = vector.extract %reduce_sum3A_286[15] : i32 from vector<16xi32>
        %dma_start3A_288 = arith.constant 0 : i32
        %dma_start3A_289 = arith.constant 0 : i32
        %dma_start3A_290 = tpu.memref_slice %arg5[%reduce_sum3A_287, %dma_start3A_288, %dma_start3A_289] : memref<16384x32x768xf32, #tpu.memory_space<hbm>> -> memref<1x32x768xf32, #tpu.memory_space<hbm>>
        %dma_start3A_291 = arith.constant 0 : i32
        %dma_start3A_292 = arith.constant 0 : i32
        %dma_start3A_293 = tpu.memref_slice %arg5[%reduce_sum3A_287, %dma_start3A_291, %dma_start3A_292] : memref<16384x32x768xf32, #tpu.memory_space<hbm>> -> memref<1x32x768xf32, #tpu.memory_space<hbm>>
        tpu.enqueue_dma source(%arg13 : memref<1x32x768xf32, #tpu.memory_space<vmem>>) target(%dma_start3A_293 : memref<1x32x768xf32, #tpu.memory_space<hbm>>) target_semaphore(%arg18 : memref<!tpu.dma_semaphore, #tpu.memory_space<semaphore_mem>>)
      }
      %while3A_129 = arith.constant 1 : i32
      scf.for %while3A_238 = %while3A_127 to %while3A_123 step %while3A_129  : i32 {
        %jit3A_239 = arith.constant 16 : i32
        %div3A_240 = arith.divsi %while3A_238, %jit3A_239 : i32
        %sign3A_241 = arith.constant 0 : i32
        %sign3A_242 = arith.cmpi sgt, %while3A_238, %sign3A_241 : i32
        %sign3A_243 = arith.extui %sign3A_242 : i1 to i32
        %sign3A_244 = arith.constant 0 : i32
        %sign3A_245 = arith.cmpi slt, %while3A_238, %sign3A_244 : i32
        %sign3A_246 = arith.extui %sign3A_245 : i1 to i32
        %sign3A_247 = arith.subi %sign3A_243, %sign3A_246 : i32
        %sign3A_248 = arith.constant 0 : i32
        %sign3A_249 = arith.cmpi sgt, %jit3A_239, %sign3A_248 : i32
        %sign3A_250 = arith.extui %sign3A_249 : i1 to i32
        %sign3A_251 = arith.constant 0 : i32
        %sign3A_252 = arith.cmpi slt, %jit3A_239, %sign3A_251 : i32
        %sign3A_253 = arith.extui %sign3A_252 : i1 to i32
        %sign3A_254 = arith.subi %sign3A_250, %sign3A_253 : i32
        %ne3A_255 = arith.cmpi ne, %sign3A_247, %sign3A_254 : i32
        %rem3A_256 = arith.remsi %while3A_238, %jit3A_239 : i32
        %ne3A_257 = arith.constant 0 : i32
        %ne3A_258 = arith.cmpi ne, %rem3A_256, %ne3A_257 : i32
        %and3A_259 = arith.andi %ne3A_255, %ne3A_258 : i1
        %sub3A_260 = arith.constant 1 : i32
        %sub3A_261 = arith.subi %div3A_240, %sub3A_260 : i32
        %select_n3A_262 = arith.select %and3A_259, %sub3A_261, %div3A_240 : i32
        %mul3A_263 = arith.constant 16 : i32
        %mul3A_264 = arith.muli %select_n3A_262, %mul3A_263 : i32
        %get3A = arith.index_cast %mul3A_264 : i32 to index
        %get3A_265 = tpu.vector_load %arg11[%get3A] {strides = array<i32>} : memref<64xi32, #tpu.memory_space<vmem>>, vector<16xi32>,
        %jit3A_266 = arith.constant 16 : i32
        %eq3A = arith.constant 0 : i32
        %eq3A_267 = arith.cmpi eq, %jit3A_266, %eq3A : i32
        %jit3A_268 = arith.constant 1 : i32
        %select_n3A_269 = arith.select %eq3A_267, %jit3A_268, %jit3A_266 : i32
        %rem3A_270 = arith.remsi %while3A_238, %select_n3A_269 : i32
        %ne3A_271 = arith.constant 0 : i32
        %ne3A_272 = arith.cmpi ne, %rem3A_270, %ne3A_271 : i32
        %lt3A_273 = arith.constant 0 : i32
        %lt3A_274 = arith.cmpi slt, %rem3A_270, %lt3A_273 : i32
        %lt3A_275 = arith.constant 0 : i32
        %lt3A_276 = arith.cmpi slt, %select_n3A_269, %lt3A_275 : i32
        %ne3A_277 = arith.xori %lt3A_274, %lt3A_276 : i1
        %and3A_278 = arith.andi %ne3A_277, %ne3A_272 : i1
        %add3A_279 = arith.addi %rem3A_270, %select_n3A_269 : i32
        %select_n3A_280 = arith.select %and3A_278, %add3A_279, %rem3A_270 : i32
        %eq3A_281 = vector.broadcast %select_n3A_280 : i32 to vector<16xi32>
        %eq3A_282 = arith.cmpi eq, %iota3A, %eq3A_281 : vector<16xi32>
        %jit3A_283 = arith.constant 0 : i32
        %broadcast_in_dim3A = vector.broadcast %jit3A_283 : i32 to vector<16xi32>
        %select_n3A_284 = arith.select %eq3A_282, %get3A_265, %broadcast_in_dim3A : vector<16xi1>, vector<16xi32>
        %reduce_sum3A = arith.constant true
        %reduce_sum3A_285 = vector.broadcast %reduce_sum3A : i1 to vector<16xi1>
        %reduce_sum3A_286 = tpu.scan <sum>, %select_n3A_284 masked %reduce_sum3A_285 : vector<16xi32>, vector<16xi1> -> vector<16xi32>
        %reduce_sum3A_287 = vector.extract %reduce_sum3A_286[15] : i32 from vector<16xi32>
        %dma_start3A_288 = arith.constant 0 : i32
        %dma_start3A_289 = arith.constant 0 : i32
        %dma_start3A_290 = tpu.memref_slice %arg5[%reduce_sum3A_287, %dma_start3A_288, %dma_start3A_289] : memref<16384x32x768xf32, #tpu.memory_space<hbm>> -> memref<1x32x768xf32, #tpu.memory_space<hbm>>
        %dma_start3A_291 = arith.constant 0 : i32
        %dma_start3A_292 = arith.constant 0 : i32
        %dma_start3A_293 = tpu.memref_slice %arg5[%reduce_sum3A_287, %dma_start3A_291, %dma_start3A_292] : memref<16384x32x768xf32, #tpu.memory_space<hbm>> -> memref<1x32x768xf32, #tpu.memory_space<hbm>>
        tpu.enqueue_dma source(%arg13 : memref<1x32x768xf32, #tpu.memory_space<vmem>>) target(%dma_start3A_293 : memref<1x32x768xf32, #tpu.memory_space<hbm>>) target_semaphore(%arg18 : memref<!tpu.dma_semaphore, #tpu.memory_space<semaphore_mem>>)
      }
      %lt3A = arith.constant 16 : i32
      %lt3A_130 = arith.cmpi slt, %add3A_109, %lt3A : i32
      %convert_element_type3A = arith.extui %lt3A_130 : i1 to i32
      %cond3A = arith.constant 0 : i32
      %cond3A_131 = arith.cmpi ne, %convert_element_type3A, %cond3A : i32
      scf.if %cond3A_131 {
        %mul3A_238 = arith.constant 32 : i32
        %mul3A_239 = arith.muli %add3A_109, %mul3A_238 : i32
        %dma_wait3A_240 = tpu.memref_slice %arg9[%mul3A_239] : memref<512xi32, #tpu.memory_space<vmem>> -> memref<32xi32, #tpu.memory_space<vmem>>
        %dma_wait3A_241 = arith.constant 0 : i32
        %dma_wait3A_242 = arith.constant 0 : i32
        %dma_wait3A_243 = tpu.memref_slice %arg4[%dma_wait3A_241, %dma_wait3A_242] : memref<1000x128xi32, #tpu.memory_space<hbm>> -> memref<1000x128xi32, #tpu.memory_space<hbm>>
        tpu.wait_indirect_dma semaphore(%arg20 : memref<!tpu.dma_semaphore, #tpu.memory_space<semaphore_mem>>) src(%dma_wait3A_243 : memref<1000x128xi32, #tpu.memory_space<hbm>>) dst(%arg15 : memref<32x128xi32, #tpu.memory_space<vmem>>)
        %mul3A_244 = arith.constant 32 : i32
        %mul3A_245 = arith.muli %add3A_109, %mul3A_244 : i32
        %add3A_246 = arith.addi %mul3A_2, %mul3A_245 : i32
        "tpu.region"() ({
          %run_scoped3A = tpu.sem_alloc : memref<!tpu.dma_semaphore, #tpu.memory_space<semaphore_mem>>
          %dma_start3A_254 = arith.constant 0 : i32
          %dma_start3A_255 = tpu.memref_slice %arg6[%add3A_246, %dma_start3A_254] : memref<16384x128xi32, #tpu.memory_space<hbm>> -> memref<32x128xi32, #tpu.memory_space<hbm>>
          %dma_start3A_256 = arith.constant 0 : i32
          %dma_start3A_257 = tpu.memref_slice %arg6[%add3A_246, %dma_start3A_256] : memref<16384x128xi32, #tpu.memory_space<hbm>> -> memref<32x128xi32, #tpu.memory_space<hbm>>
          tpu.enqueue_dma source(%arg15 : memref<32x128xi32, #tpu.memory_space<vmem>>) target(%dma_start3A_257 : memref<32x128xi32, #tpu.memory_space<hbm>>) target_semaphore(%run_scoped3A : memref<!tpu.dma_semaphore, #tpu.memory_space<semaphore_mem>>)
          %dma_wait3A_258 = arith.constant 0 : i32
          %dma_wait3A_259 = tpu.memref_slice %arg6[%add3A_246, %dma_wait3A_258] : memref<16384x128xi32, #tpu.memory_space<hbm>> -> memref<32x128xi32, #tpu.memory_space<hbm>>
          %dma_wait3A_260 = arith.constant 0 : i32
          %dma_wait3A_261 = tpu.memref_slice %arg6[%add3A_246, %dma_wait3A_260] : memref<16384x128xi32, #tpu.memory_space<hbm>> -> memref<32x128xi32, #tpu.memory_space<hbm>>
          tpu.wait_dma2 semaphore(%run_scoped3A : memref<!tpu.dma_semaphore, #tpu.memory_space<semaphore_mem>>) src(%arg15 : memref<32x128xi32, #tpu.memory_space<vmem>>) dst(%dma_wait3A_261 : memref<32x128xi32, #tpu.memory_space<hbm>>)
          tpu.yield
        }) : () -> ()
        %add3A_247 = arith.constant 1 : i32
        %add3A_248 = arith.addi %add3A_109, %add3A_247 : i32
        %lt3A_249 = arith.constant 16 : i32
        %lt3A_250 = arith.cmpi slt, %add3A_248, %lt3A_249 : i32
        %convert_element_type3A_251 = arith.extui %lt3A_250 : i1 to i32
        %cond3A_252 = arith.constant 0 : i32
        %cond3A_253 = arith.cmpi ne, %convert_element_type3A_251, %cond3A_252 : i32
        scf.if %cond3A_253 {
          %add3A_254 = arith.constant 1 : i32
          %add3A_255 = arith.addi %add3A_109, %add3A_254 : i32
          %mul3A_256 = arith.constant 32 : i32
          %mul3A_257 = arith.muli %add3A_255, %mul3A_256 : i32
          %dma_start3A_258 = tpu.memref_slice %arg9[%mul3A_257] : memref<512xi32, #tpu.memory_space<vmem>> -> memref<32xi32, #tpu.memory_space<vmem>>
          %dma_start3A_259 = arith.constant 0 : i32
          %dma_start3A_260 = arith.constant 0 : i32
          %dma_start3A_261 = tpu.memref_slice %arg4[%dma_start3A_259, %dma_start3A_260] : memref<1000x128xi32, #tpu.memory_space<hbm>> -> memref<1000x128xi32, #tpu.memory_space<hbm>>
          tpu.enqueue_indirect_dma source(%dma_start3A_261 : memref<1000x128xi32, #tpu.memory_space<hbm>>) target(%arg15 : memref<32x128xi32, #tpu.memory_space<vmem>>) offsets(%dma_start3A_258 : memref<32xi32, #tpu.memory_space<vmem>>) semaphore(%arg20 : memref<!tpu.dma_semaphore, #tpu.memory_space<semaphore_mem>>)
        } else {
        }
      } else {
      }
      %add3A_132 = arith.constant 2 : i32
      %add3A_133 = arith.addi %add3A_109, %add3A_132 : i32
      %mul3A_134 = arith.constant 32 : i32
      %mul3A_135 = arith.muli %mul3A_134, %add3A_133 : i32
      %add3A_136 = arith.addi %add3A, %mul3A_135 : i32
      %min3A_137 = arith.constant 999 : i32
      %min3A_138 = arith.minsi %add3A_136, %min3A_137 : i32
      %while3A_139 = arith.constant 0 : i32
      %while3A_140 = arith.constant 0 : i32
      %while3A_141 = arith.subi %select_n3A, %while3A_139 : i32
      %while3A_142 = arith.addi %while3A_139, %while3A_141 : i32
      %while3A_143 = arith.constant 1 : i32
      %while3A_144 = arith.divsi %while3A_141, %while3A_143 : i32
      %while3A_145 = arith.muli %while3A_144, %while3A_143 : i32
      %while3A_146 = arith.addi %while3A_139, %while3A_145 : i32
      %while3A_147 = arith.constant 1 : i32
      %while3A_148 = scf.for %while3A_238 = %while3A_139 to %while3A_146 step %while3A_147 iter_args(%while3A_239 = %while3A_140) -> (i32)  : i32 {
        %mul3A_240 = arith.constant 16 : i32
        %mul3A_241 = arith.muli %while3A_238, %mul3A_240 : i32
        %get3A = arith.index_cast %mul3A_241 : i32 to index
        %get3A_242 = tpu.vector_load %arg10[%get3A] {strides = array<i32>} : memref<1024xi32, #tpu.memory_space<vmem>>, vector<16xi32>,
        %shift_right_arithmetic3A = arith.constant 14 : i32
        %shift_right_arithmetic3A_243 = vector.broadcast %shift_right_arithmetic3A : i32 to vector<16xi32>
        %shift_right_arithmetic3A_244 = arith.shrsi %get3A_242, %shift_right_arithmetic3A_243 : vector<16xi32>
        %eq3A = vector.broadcast %min3A_138 : i32 to vector<16xi32>
        %eq3A_245 = arith.cmpi eq, %shift_right_arithmetic3A_244, %eq3A : vector<16xi32>
        %mul3A_246 = arith.constant 16 : i32
        %mul3A_247 = arith.muli %while3A_238, %mul3A_246 : i32
        %add3A_248 = vector.broadcast %mul3A_247 : i32 to vector<16xi32>
        %add3A_249 = arith.addi %add3A_248, %iota3A : vector<16xi32>
        %lt3A_250 = vector.broadcast %min3A_31 : i32 to vector<16xi32>
        %lt3A_251 = arith.cmpi slt, %add3A_249, %lt3A_250 : vector<16xi32>
        %and3A_252 = arith.andi %eq3A_245, %lt3A_251 : vector<16xi1>
        %convert_element_type3A_253 = arith.extui %and3A_252 : vector<16xi1> to vector<16xi32>
        %broadcast_in_dim3A = arith.constant true
        %broadcast_in_dim3A_254 = vector.broadcast %broadcast_in_dim3A : i1 to vector<16xi1>
        %masked_cumsum3A = tpu.scan <sum>, %convert_element_type3A_253 masked %broadcast_in_dim3A_254 : vector<16xi32>, vector<16xi1> -> vector<16xi32>
        %add3A_255 = vector.broadcast %while3A_239 : i32 to vector<16xi32>
        %add3A_256 = arith.addi %add3A_255, %masked_cumsum3A : vector<16xi32>
        %sub3A_257 = arith.constant 1 : i32
        %sub3A_258 = vector.broadcast %sub3A_257 : i32 to vector<16xi32>
        %sub3A_259 = arith.subi %add3A_256, %sub3A_258 : vector<16xi32>
        %lt3A_260 = arith.constant 64 : i32
        %lt3A_261 = vector.broadcast %lt3A_260 : i32 to vector<16xi32>
        %lt3A_262 = arith.cmpi slt, %sub3A_259, %lt3A_261 : vector<16xi32>
        %and3A_263 = arith.andi %and3A_252, %lt3A_262 : vector<16xi1>
        %and3A_264 = arith.constant 16383 : i32
        %and3A_265 = vector.broadcast %and3A_264 : i32 to vector<16xi32>
        %and3A_266 = arith.andi %get3A_242, %and3A_265 : vector<16xi32>
        tpu.vector_store_idx %arg11[%sub3A_259], %and3A_266 masked %and3A_263 : memref<64xi32, #tpu.memory_space<vmem>>[vector<16xi32>], vector<16xi32>, vector<16xi1>
        %reduce_sum3A = arith.constant true
        %reduce_sum3A_267 = vector.broadcast %reduce_sum3A : i1 to vector<16xi1>
        %reduce_sum3A_268 = tpu.scan <sum>, %convert_element_type3A_253 masked %reduce_sum3A_267 : vector<16xi32>, vector<16xi1> -> vector<16xi32>
        %reduce_sum3A_269 = vector.extract %reduce_sum3A_268[15] : i32 from vector<16xi32>
        %add3A_270 = arith.addi %while3A_239, %reduce_sum3A_269 : i32
        scf.yield %add3A_270 : i32
      }
      %while3A_149 = arith.constant 1 : i32
      %while3A_150 = scf.for %while3A_238 = %while3A_146 to %while3A_142 step %while3A_149 iter_args(%while3A_239 = %while3A_148) -> (i32)  : i32 {
        %mul3A_240 = arith.constant 16 : i32
        %mul3A_241 = arith.muli %while3A_238, %mul3A_240 : i32
        %get3A = arith.index_cast %mul3A_241 : i32 to index
        %get3A_242 = tpu.vector_load %arg10[%get3A] {strides = array<i32>} : memref<1024xi32, #tpu.memory_space<vmem>>, vector<16xi32>,
        %shift_right_arithmetic3A = arith.constant 14 : i32
        %shift_right_arithmetic3A_243 = vector.broadcast %shift_right_arithmetic3A : i32 to vector<16xi32>
        %shift_right_arithmetic3A_244 = arith.shrsi %get3A_242, %shift_right_arithmetic3A_243 : vector<16xi32>
        %eq3A = vector.broadcast %min3A_138 : i32 to vector<16xi32>
        %eq3A_245 = arith.cmpi eq, %shift_right_arithmetic3A_244, %eq3A : vector<16xi32>
        %mul3A_246 = arith.constant 16 : i32
        %mul3A_247 = arith.muli %while3A_238, %mul3A_246 : i32
        %add3A_248 = vector.broadcast %mul3A_247 : i32 to vector<16xi32>
        %add3A_249 = arith.addi %add3A_248, %iota3A : vector<16xi32>
        %lt3A_250 = vector.broadcast %min3A_31 : i32 to vector<16xi32>
        %lt3A_251 = arith.cmpi slt, %add3A_249, %lt3A_250 : vector<16xi32>
        %and3A_252 = arith.andi %eq3A_245, %lt3A_251 : vector<16xi1>
        %convert_element_type3A_253 = arith.extui %and3A_252 : vector<16xi1> to vector<16xi32>
        %broadcast_in_dim3A = arith.constant true
        %broadcast_in_dim3A_254 = vector.broadcast %broadcast_in_dim3A : i1 to vector<16xi1>
        %masked_cumsum3A = tpu.scan <sum>, %convert_element_type3A_253 masked %broadcast_in_dim3A_254 : vector<16xi32>, vector<16xi1> -> vector<16xi32>
        %add3A_255 = vector.broadcast %while3A_239 : i32 to vector<16xi32>
        %add3A_256 = arith.addi %add3A_255, %masked_cumsum3A : vector<16xi32>
        %sub3A_257 = arith.constant 1 : i32
        %sub3A_258 = vector.broadcast %sub3A_257 : i32 to vector<16xi32>
        %sub3A_259 = arith.subi %add3A_256, %sub3A_258 : vector<16xi32>
        %lt3A_260 = arith.constant 64 : i32
        %lt3A_261 = vector.broadcast %lt3A_260 : i32 to vector<16xi32>
        %lt3A_262 = arith.cmpi slt, %sub3A_259, %lt3A_261 : vector<16xi32>
        %and3A_263 = arith.andi %and3A_252, %lt3A_262 : vector<16xi1>
        %and3A_264 = arith.constant 16383 : i32
        %and3A_265 = vector.broadcast %and3A_264 : i32 to vector<16xi32>
        %and3A_266 = arith.andi %get3A_242, %and3A_265 : vector<16xi32>
        tpu.vector_store_idx %arg11[%sub3A_259], %and3A_266 masked %and3A_263 : memref<64xi32, #tpu.memory_space<vmem>>[vector<16xi32>], vector<16xi32>, vector<16xi1>
        %reduce_sum3A = arith.constant true
        %reduce_sum3A_267 = vector.broadcast %reduce_sum3A : i1 to vector<16xi1>
        %reduce_sum3A_268 = tpu.scan <sum>, %convert_element_type3A_253 masked %reduce_sum3A_267 : vector<16xi32>, vector<16xi1> -> vector<16xi32>
        %reduce_sum3A_269 = vector.extract %reduce_sum3A_268[15] : i32 from vector<16xi32>
        %add3A_270 = arith.addi %while3A_239, %reduce_sum3A_269 : i32
        scf.yield %add3A_270 : i32
      }
      %min3A_151 = arith.constant 64 : i32
      %min3A_152 = arith.minsi %while3A_150, %min3A_151 : i32
      %while3A_153 = arith.constant 0 : i32
      %while3A_154 = arith.constant 0 : i32
      %while3A_155 = arith.subi %scan3A_105, %while3A_154 : i32
      %while3A_156 = arith.addi %while3A_154, %while3A_155 : i32
      %while3A_157 = arith.constant 1 : i32
      %while3A_158 = arith.divsi %while3A_155, %while3A_157 : i32
      %while3A_159 = arith.muli %while3A_158, %while3A_157 : i32
      %while3A_160 = arith.addi %while3A_154, %while3A_159 : i32
      %while3A_161 = arith.constant 1 : i32
      scf.for %while3A_238 = %while3A_154 to %while3A_160 step %while3A_161  : i32 {
        %dma_wait3A_239 = arith.constant 0 : i32
        %dma_wait3A_240 = arith.constant 0 : i32
        %dma_wait3A_241 = arith.constant 0 : i32
        %dma_wait3A_242 = tpu.memref_slice %arg5[%dma_wait3A_239, %dma_wait3A_240, %dma_wait3A_241] : memref<16384x32x768xf32, #tpu.memory_space<hbm>> -> memref<1x32x768xf32, #tpu.memory_space<hbm>>
        %dma_wait3A_243 = arith.constant 0 : i32
        %dma_wait3A_244 = arith.constant 0 : i32
        %dma_wait3A_245 = arith.constant 0 : i32
        %dma_wait3A_246 = tpu.memref_slice %arg5[%dma_wait3A_243, %dma_wait3A_244, %dma_wait3A_245] : memref<16384x32x768xf32, #tpu.memory_space<hbm>> -> memref<1x32x768xf32, #tpu.memory_space<hbm>>
        tpu.wait_dma2 semaphore(%arg19 : memref<!tpu.dma_semaphore, #tpu.memory_space<semaphore_mem>>) src(%arg14 : memref<1x32x768xf32, #tpu.memory_space<vmem>>) dst(%dma_wait3A_246 : memref<1x32x768xf32, #tpu.memory_space<hbm>>)
      }
      %while3A_162 = arith.constant 1 : i32
      scf.for %while3A_238 = %while3A_160 to %while3A_156 step %while3A_162  : i32 {
        %dma_wait3A_239 = arith.constant 0 : i32
        %dma_wait3A_240 = arith.constant 0 : i32
        %dma_wait3A_241 = arith.constant 0 : i32
        %dma_wait3A_242 = tpu.memref_slice %arg5[%dma_wait3A_239, %dma_wait3A_240, %dma_wait3A_241] : memref<16384x32x768xf32, #tpu.memory_space<hbm>> -> memref<1x32x768xf32, #tpu.memory_space<hbm>>
        %dma_wait3A_243 = arith.constant 0 : i32
        %dma_wait3A_244 = arith.constant 0 : i32
        %dma_wait3A_245 = arith.constant 0 : i32
        %dma_wait3A_246 = tpu.memref_slice %arg5[%dma_wait3A_243, %dma_wait3A_244, %dma_wait3A_245] : memref<16384x32x768xf32, #tpu.memory_space<hbm>> -> memref<1x32x768xf32, #tpu.memory_space<hbm>>
        tpu.wait_dma2 semaphore(%arg19 : memref<!tpu.dma_semaphore, #tpu.memory_space<semaphore_mem>>) src(%arg14 : memref<1x32x768xf32, #tpu.memory_space<vmem>>) dst(%dma_wait3A_246 : memref<1x32x768xf32, #tpu.memory_space<hbm>>)
      }
      %add3A_163 = arith.constant 1 : i32
      %add3A_164 = arith.addi %add3A_109, %add3A_163 : i32
      %lt3A_165 = arith.constant 32 : i32
      %lt3A_166 = arith.cmpi slt, %add3A_164, %lt3A_165 : i32
      %convert_element_type3A_167 = arith.extui %lt3A_166 : i1 to i32
      %cond3A_168 = arith.constant 0 : i32
      %cond3A_169 = arith.cmpi ne, %convert_element_type3A_167, %cond3A_168 : i32
      scf.if %cond3A_169 {
        %add3A_238 = arith.constant 1 : i32
        %add3A_239 = arith.addi %add3A_109, %add3A_238 : i32
        %mul3A_240 = arith.constant 32 : i32
        %mul3A_241 = arith.muli %mul3A_240, %add3A_239 : i32
        %add3A_242 = arith.addi %add3A, %mul3A_241 : i32
        %min3A_243 = arith.constant 999 : i32
        %min3A_244 = arith.minsi %add3A_242, %min3A_243 : i32
        %dma_start3A_245 = arith.constant 0 : i32
        %dma_start3A_246 = arith.constant 0 : i32
        %dma_start3A_247 = tpu.memref_slice %arg3[%min3A_244, %dma_start3A_245, %dma_start3A_246] : memref<1000x32x768xf32, #tpu.memory_space<hbm>> -> memref<1x32x768xf32, #tpu.memory_space<hbm>>
        %dma_start3A_248 = arith.constant 0 : i32
        %dma_start3A_249 = arith.constant 0 : i32
        %dma_start3A_250 = tpu.memref_slice %arg3[%min3A_244, %dma_start3A_248, %dma_start3A_249] : memref<1000x32x768xf32, #tpu.memory_space<hbm>> -> memref<1x32x768xf32, #tpu.memory_space<hbm>>
        tpu.enqueue_dma source(%dma_start3A_250 : memref<1x32x768xf32, #tpu.memory_space<hbm>>) target(%arg14 : memref<1x32x768xf32, #tpu.memory_space<vmem>>) target_semaphore(%arg17 : memref<!tpu.dma_semaphore, #tpu.memory_space<semaphore_mem>>)
      } else {
      }
      %mul3A_170 = arith.constant 2 : i32
      %mul3A_171 = arith.muli %mul3A_170, %scan3A_102 : i32
      %add3A_172 = arith.constant 1 : i32
      %add3A_173 = arith.addi %mul3A_171, %add3A_172 : i32
      %mul3A_174 = arith.constant 32 : i32
      %mul3A_175 = arith.muli %mul3A_174, %add3A_173 : i32
      %add3A_176 = arith.addi %add3A, %mul3A_175 : i32
      %min3A_177 = arith.constant 999 : i32
      %min3A_178 = arith.minsi %add3A_176, %min3A_177 : i32
      %dma_wait3A_179 = arith.constant 0 : i32
      %dma_wait3A_180 = arith.constant 0 : i32
      %dma_wait3A_181 = tpu.memref_slice %arg3[%min3A_178, %dma_wait3A_179, %dma_wait3A_180] : memref<1000x32x768xf32, #tpu.memory_space<hbm>> -> memref<1x32x768xf32, #tpu.memory_space<hbm>>
      %dma_wait3A_182 = arith.constant 0 : i32
      %dma_wait3A_183 = arith.constant 0 : i32
      %dma_wait3A_184 = tpu.memref_slice %arg3[%min3A_178, %dma_wait3A_182, %dma_wait3A_183] : memref<1000x32x768xf32, #tpu.memory_space<hbm>> -> memref<1x32x768xf32, #tpu.memory_space<hbm>>
      tpu.wait_dma2 semaphore(%arg17 : memref<!tpu.dma_semaphore, #tpu.memory_space<semaphore_mem>>) src(%dma_wait3A_184 : memref<1x32x768xf32, #tpu.memory_space<hbm>>) dst(%arg14 : memref<1x32x768xf32, #tpu.memory_space<vmem>>)
      %while3A_185 = arith.constant 0 : i32
      %while3A_186 = arith.constant 0 : i32
      %while3A_187 = arith.subi %scan3A_104, %while3A_186 : i32
      %while3A_188 = arith.addi %while3A_186, %while3A_187 : i32
      %while3A_189 = arith.constant 1 : i32
      %while3A_190 = arith.divsi %while3A_187, %while3A_189 : i32
      %while3A_191 = arith.muli %while3A_190, %while3A_189 : i32
      %while3A_192 = arith.addi %while3A_186, %while3A_191 : i32
      %while3A_193 = arith.constant 1 : i32
      scf.for %while3A_238 = %while3A_186 to %while3A_192 step %while3A_193  : i32 {
        %jit3A_239 = arith.constant 16 : i32
        %div3A_240 = arith.divsi %while3A_238, %jit3A_239 : i32
        %sign3A_241 = arith.constant 0 : i32
        %sign3A_242 = arith.cmpi sgt, %while3A_238, %sign3A_241 : i32
        %sign3A_243 = arith.extui %sign3A_242 : i1 to i32
        %sign3A_244 = arith.constant 0 : i32
        %sign3A_245 = arith.cmpi slt, %while3A_238, %sign3A_244 : i32
        %sign3A_246 = arith.extui %sign3A_245 : i1 to i32
        %sign3A_247 = arith.subi %sign3A_243, %sign3A_246 : i32
        %sign3A_248 = arith.constant 0 : i32
        %sign3A_249 = arith.cmpi sgt, %jit3A_239, %sign3A_248 : i32
        %sign3A_250 = arith.extui %sign3A_249 : i1 to i32
        %sign3A_251 = arith.constant 0 : i32
        %sign3A_252 = arith.cmpi slt, %jit3A_239, %sign3A_251 : i32
        %sign3A_253 = arith.extui %sign3A_252 : i1 to i32
        %sign3A_254 = arith.subi %sign3A_250, %sign3A_253 : i32
        %ne3A_255 = arith.cmpi ne, %sign3A_247, %sign3A_254 : i32
        %rem3A_256 = arith.remsi %while3A_238, %jit3A_239 : i32
        %ne3A_257 = arith.constant 0 : i32
        %ne3A_258 = arith.cmpi ne, %rem3A_256, %ne3A_257 : i32
        %and3A_259 = arith.andi %ne3A_255, %ne3A_258 : i1
        %sub3A_260 = arith.constant 1 : i32
        %sub3A_261 = arith.subi %div3A_240, %sub3A_260 : i32
        %select_n3A_262 = arith.select %and3A_259, %sub3A_261, %div3A_240 : i32
        %mul3A_263 = arith.constant 16 : i32
        %mul3A_264 = arith.muli %select_n3A_262, %mul3A_263 : i32
        %get3A = arith.index_cast %mul3A_264 : i32 to index
        %get3A_265 = tpu.vector_load %arg12[%get3A] {strides = array<i32>} : memref<64xi32, #tpu.memory_space<vmem>>, vector<16xi32>,
        %jit3A_266 = arith.constant 16 : i32
        %eq3A = arith.constant 0 : i32
        %eq3A_267 = arith.cmpi eq, %jit3A_266, %eq3A : i32
        %jit3A_268 = arith.constant 1 : i32
        %select_n3A_269 = arith.select %eq3A_267, %jit3A_268, %jit3A_266 : i32
        %rem3A_270 = arith.remsi %while3A_238, %select_n3A_269 : i32
        %ne3A_271 = arith.constant 0 : i32
        %ne3A_272 = arith.cmpi ne, %rem3A_270, %ne3A_271 : i32
        %lt3A_273 = arith.constant 0 : i32
        %lt3A_274 = arith.cmpi slt, %rem3A_270, %lt3A_273 : i32
        %lt3A_275 = arith.constant 0 : i32
        %lt3A_276 = arith.cmpi slt, %select_n3A_269, %lt3A_275 : i32
        %ne3A_277 = arith.xori %lt3A_274, %lt3A_276 : i1
        %and3A_278 = arith.andi %ne3A_277, %ne3A_272 : i1
        %add3A_279 = arith.addi %rem3A_270, %select_n3A_269 : i32
        %select_n3A_280 = arith.select %and3A_278, %add3A_279, %rem3A_270 : i32
        %eq3A_281 = vector.broadcast %select_n3A_280 : i32 to vector<16xi32>
        %eq3A_282 = arith.cmpi eq, %iota3A, %eq3A_281 : vector<16xi32>
        %jit3A_283 = arith.constant 0 : i32
        %broadcast_in_dim3A = vector.broadcast %jit3A_283 : i32 to vector<16xi32>
        %select_n3A_284 = arith.select %eq3A_282, %get3A_265, %broadcast_in_dim3A : vector<16xi1>, vector<16xi32>
        %reduce_sum3A = arith.constant true
        %reduce_sum3A_285 = vector.broadcast %reduce_sum3A : i1 to vector<16xi1>
        %reduce_sum3A_286 = tpu.scan <sum>, %select_n3A_284 masked %reduce_sum3A_285 : vector<16xi32>, vector<16xi1> -> vector<16xi32>
        %reduce_sum3A_287 = vector.extract %reduce_sum3A_286[15] : i32 from vector<16xi32>
        %dma_start3A_288 = arith.constant 0 : i32
        %dma_start3A_289 = arith.constant 0 : i32
        %dma_start3A_290 = tpu.memref_slice %arg5[%reduce_sum3A_287, %dma_start3A_288, %dma_start3A_289] : memref<16384x32x768xf32, #tpu.memory_space<hbm>> -> memref<1x32x768xf32, #tpu.memory_space<hbm>>
        %dma_start3A_291 = arith.constant 0 : i32
        %dma_start3A_292 = arith.constant 0 : i32
        %dma_start3A_293 = tpu.memref_slice %arg5[%reduce_sum3A_287, %dma_start3A_291, %dma_start3A_292] : memref<16384x32x768xf32, #tpu.memory_space<hbm>> -> memref<1x32x768xf32, #tpu.memory_space<hbm>>
        tpu.enqueue_dma source(%arg14 : memref<1x32x768xf32, #tpu.memory_space<vmem>>) target(%dma_start3A_293 : memref<1x32x768xf32, #tpu.memory_space<hbm>>) target_semaphore(%arg19 : memref<!tpu.dma_semaphore, #tpu.memory_space<semaphore_mem>>)
      }
      %while3A_194 = arith.constant 1 : i32
      scf.for %while3A_238 = %while3A_192 to %while3A_188 step %while3A_194  : i32 {
        %jit3A_239 = arith.constant 16 : i32
        %div3A_240 = arith.divsi %while3A_238, %jit3A_239 : i32
        %sign3A_241 = arith.constant 0 : i32
        %sign3A_242 = arith.cmpi sgt, %while3A_238, %sign3A_241 : i32
        %sign3A_243 = arith.extui %sign3A_242 : i1 to i32
        %sign3A_244 = arith.constant 0 : i32
        %sign3A_245 = arith.cmpi slt, %while3A_238, %sign3A_244 : i32
        %sign3A_246 = arith.extui %sign3A_245 : i1 to i32
        %sign3A_247 = arith.subi %sign3A_243, %sign3A_246 : i32
        %sign3A_248 = arith.constant 0 : i32
        %sign3A_249 = arith.cmpi sgt, %jit3A_239, %sign3A_248 : i32
        %sign3A_250 = arith.extui %sign3A_249 : i1 to i32
        %sign3A_251 = arith.constant 0 : i32
        %sign3A_252 = arith.cmpi slt, %jit3A_239, %sign3A_251 : i32
        %sign3A_253 = arith.extui %sign3A_252 : i1 to i32
        %sign3A_254 = arith.subi %sign3A_250, %sign3A_253 : i32
        %ne3A_255 = arith.cmpi ne, %sign3A_247, %sign3A_254 : i32
        %rem3A_256 = arith.remsi %while3A_238, %jit3A_239 : i32
        %ne3A_257 = arith.constant 0 : i32
        %ne3A_258 = arith.cmpi ne, %rem3A_256, %ne3A_257 : i32
        %and3A_259 = arith.andi %ne3A_255, %ne3A_258 : i1
        %sub3A_260 = arith.constant 1 : i32
        %sub3A_261 = arith.subi %div3A_240, %sub3A_260 : i32
        %select_n3A_262 = arith.select %and3A_259, %sub3A_261, %div3A_240 : i32
        %mul3A_263 = arith.constant 16 : i32
        %mul3A_264 = arith.muli %select_n3A_262, %mul3A_263 : i32
        %get3A = arith.index_cast %mul3A_264 : i32 to index
        %get3A_265 = tpu.vector_load %arg12[%get3A] {strides = array<i32>} : memref<64xi32, #tpu.memory_space<vmem>>, vector<16xi32>,
        %jit3A_266 = arith.constant 16 : i32
        %eq3A = arith.constant 0 : i32
        %eq3A_267 = arith.cmpi eq, %jit3A_266, %eq3A : i32
        %jit3A_268 = arith.constant 1 : i32
        %select_n3A_269 = arith.select %eq3A_267, %jit3A_268, %jit3A_266 : i32
        %rem3A_270 = arith.remsi %while3A_238, %select_n3A_269 : i32
        %ne3A_271 = arith.constant 0 : i32
        %ne3A_272 = arith.cmpi ne, %rem3A_270, %ne3A_271 : i32
        %lt3A_273 = arith.constant 0 : i32
        %lt3A_274 = arith.cmpi slt, %rem3A_270, %lt3A_273 : i32
        %lt3A_275 = arith.constant 0 : i32
        %lt3A_276 = arith.cmpi slt, %select_n3A_269, %lt3A_275 : i32
        %ne3A_277 = arith.xori %lt3A_274, %lt3A_276 : i1
        %and3A_278 = arith.andi %ne3A_277, %ne3A_272 : i1
        %add3A_279 = arith.addi %rem3A_270, %select_n3A_269 : i32
        %select_n3A_280 = arith.select %and3A_278, %add3A_279, %rem3A_270 : i32
        %eq3A_281 = vector.broadcast %select_n3A_280 : i32 to vector<16xi32>
        %eq3A_282 = arith.cmpi eq, %iota3A, %eq3A_281 : vector<16xi32>
        %jit3A_283 = arith.constant 0 : i32
        %broadcast_in_dim3A = vector.broadcast %jit3A_283 : i32 to vector<16xi32>
        %select_n3A_284 = arith.select %eq3A_282, %get3A_265, %broadcast_in_dim3A : vector<16xi1>, vector<16xi32>
        %reduce_sum3A = arith.constant true
        %reduce_sum3A_285 = vector.broadcast %reduce_sum3A : i1 to vector<16xi1>
        %reduce_sum3A_286 = tpu.scan <sum>, %select_n3A_284 masked %reduce_sum3A_285 : vector<16xi32>, vector<16xi1> -> vector<16xi32>
        %reduce_sum3A_287 = vector.extract %reduce_sum3A_286[15] : i32 from vector<16xi32>
        %dma_start3A_288 = arith.constant 0 : i32
        %dma_start3A_289 = arith.constant 0 : i32
        %dma_start3A_290 = tpu.memref_slice %arg5[%reduce_sum3A_287, %dma_start3A_288, %dma_start3A_289] : memref<16384x32x768xf32, #tpu.memory_space<hbm>> -> memref<1x32x768xf32, #tpu.memory_space<hbm>>
        %dma_start3A_291 = arith.constant 0 : i32
        %dma_start3A_292 = arith.constant 0 : i32
        %dma_start3A_293 = tpu.memref_slice %arg5[%reduce_sum3A_287, %dma_start3A_291, %dma_start3A_292] : memref<16384x32x768xf32, #tpu.memory_space<hbm>> -> memref<1x32x768xf32, #tpu.memory_space<hbm>>
        tpu.enqueue_dma source(%arg14 : memref<1x32x768xf32, #tpu.memory_space<vmem>>) target(%dma_start3A_293 : memref<1x32x768xf32, #tpu.memory_space<hbm>>) target_semaphore(%arg19 : memref<!tpu.dma_semaphore, #tpu.memory_space<semaphore_mem>>)
      }
      %lt3A_195 = arith.constant 16 : i32
      %lt3A_196 = arith.cmpi slt, %add3A_173, %lt3A_195 : i32
      %convert_element_type3A_197 = arith.extui %lt3A_196 : i1 to i32
      %cond3A_198 = arith.constant 0 : i32
      %cond3A_199 = arith.cmpi ne, %convert_element_type3A_197, %cond3A_198 : i32
      scf.if %cond3A_199 {
        %mul3A_238 = arith.constant 32 : i32
        %mul3A_239 = arith.muli %add3A_173, %mul3A_238 : i32
        %dma_wait3A_240 = tpu.memref_slice %arg9[%mul3A_239] : memref<512xi32, #tpu.memory_space<vmem>> -> memref<32xi32, #tpu.memory_space<vmem>>
        %dma_wait3A_241 = arith.constant 0 : i32
        %dma_wait3A_242 = arith.constant 0 : i32
        %dma_wait3A_243 = tpu.memref_slice %arg4[%dma_wait3A_241, %dma_wait3A_242] : memref<1000x128xi32, #tpu.memory_space<hbm>> -> memref<1000x128xi32, #tpu.memory_space<hbm>>
        tpu.wait_indirect_dma semaphore(%arg20 : memref<!tpu.dma_semaphore, #tpu.memory_space<semaphore_mem>>) src(%dma_wait3A_243 : memref<1000x128xi32, #tpu.memory_space<hbm>>) dst(%arg15 : memref<32x128xi32, #tpu.memory_space<vmem>>)
        %mul3A_244 = arith.constant 32 : i32
        %mul3A_245 = arith.muli %add3A_173, %mul3A_244 : i32
        %add3A_246 = arith.addi %mul3A_2, %mul3A_245 : i32
        "tpu.region"() ({
          %run_scoped3A = tpu.sem_alloc : memref<!tpu.dma_semaphore, #tpu.memory_space<semaphore_mem>>
          %dma_start3A_254 = arith.constant 0 : i32
          %dma_start3A_255 = tpu.memref_slice %arg6[%add3A_246, %dma_start3A_254] : memref<16384x128xi32, #tpu.memory_space<hbm>> -> memref<32x128xi32, #tpu.memory_space<hbm>>
          %dma_start3A_256 = arith.constant 0 : i32
          %dma_start3A_257 = tpu.memref_slice %arg6[%add3A_246, %dma_start3A_256] : memref<16384x128xi32, #tpu.memory_space<hbm>> -> memref<32x128xi32, #tpu.memory_space<hbm>>
          tpu.enqueue_dma source(%arg15 : memref<32x128xi32, #tpu.memory_space<vmem>>) target(%dma_start3A_257 : memref<32x128xi32, #tpu.memory_space<hbm>>) target_semaphore(%run_scoped3A : memref<!tpu.dma_semaphore, #tpu.memory_space<semaphore_mem>>)
          %dma_wait3A_258 = arith.constant 0 : i32
          %dma_wait3A_259 = tpu.memref_slice %arg6[%add3A_246, %dma_wait3A_258] : memref<16384x128xi32, #tpu.memory_space<hbm>> -> memref<32x128xi32, #tpu.memory_space<hbm>>
          %dma_wait3A_260 = arith.constant 0 : i32
          %dma_wait3A_261 = tpu.memref_slice %arg6[%add3A_246, %dma_wait3A_260] : memref<16384x128xi32, #tpu.memory_space<hbm>> -> memref<32x128xi32, #tpu.memory_space<hbm>>
          tpu.wait_dma2 semaphore(%run_scoped3A : memref<!tpu.dma_semaphore, #tpu.memory_space<semaphore_mem>>) src(%arg15 : memref<32x128xi32, #tpu.memory_space<vmem>>) dst(%dma_wait3A_261 : memref<32x128xi32, #tpu.memory_space<hbm>>)
          tpu.yield
        }) : () -> ()
        %add3A_247 = arith.constant 1 : i32
        %add3A_248 = arith.addi %add3A_173, %add3A_247 : i32
        %lt3A_249 = arith.constant 16 : i32
        %lt3A_250 = arith.cmpi slt, %add3A_248, %lt3A_249 : i32
        %convert_element_type3A_251 = arith.extui %lt3A_250 : i1 to i32
        %cond3A_252 = arith.constant 0 : i32
        %cond3A_253 = arith.cmpi ne, %convert_element_type3A_251, %cond3A_252 : i32
        scf.if %cond3A_253 {
          %add3A_254 = arith.constant 1 : i32
          %add3A_255 = arith.addi %add3A_173, %add3A_254 : i32
          %mul3A_256 = arith.constant 32 : i32
          %mul3A_257 = arith.muli %add3A_255, %mul3A_256 : i32
          %dma_start3A_258 = tpu.memref_slice %arg9[%mul3A_257] : memref<512xi32, #tpu.memory_space<vmem>> -> memref<32xi32, #tpu.memory_space<vmem>>
          %dma_start3A_259 = arith.constant 0 : i32
          %dma_start3A_260 = arith.constant 0 : i32
          %dma_start3A_261 = tpu.memref_slice %arg4[%dma_start3A_259, %dma_start3A_260] : memref<1000x128xi32, #tpu.memory_space<hbm>> -> memref<1000x128xi32, #tpu.memory_space<hbm>>
          tpu.enqueue_indirect_dma source(%dma_start3A_261 : memref<1000x128xi32, #tpu.memory_space<hbm>>) target(%arg15 : memref<32x128xi32, #tpu.memory_space<vmem>>) offsets(%dma_start3A_258 : memref<32xi32, #tpu.memory_space<vmem>>) semaphore(%arg20 : memref<!tpu.dma_semaphore, #tpu.memory_space<semaphore_mem>>)
        } else {
        }
      } else {
      }
      %add3A_200 = arith.constant 2 : i32
      %add3A_201 = arith.addi %add3A_173, %add3A_200 : i32
      %mul3A_202 = arith.constant 32 : i32
      %mul3A_203 = arith.muli %mul3A_202, %add3A_201 : i32
      %add3A_204 = arith.addi %add3A, %mul3A_203 : i32
      %min3A_205 = arith.constant 999 : i32
      %min3A_206 = arith.minsi %add3A_204, %min3A_205 : i32
      %while3A_207 = arith.constant 0 : i32
      %while3A_208 = arith.constant 0 : i32
      %while3A_209 = arith.subi %select_n3A, %while3A_207 : i32
      %while3A_210 = arith.addi %while3A_207, %while3A_209 : i32
      %while3A_211 = arith.constant 1 : i32
      %while3A_212 = arith.divsi %while3A_209, %while3A_211 : i32
      %while3A_213 = arith.muli %while3A_212, %while3A_211 : i32
      %while3A_214 = arith.addi %while3A_207, %while3A_213 : i32
      %while3A_215 = arith.constant 1 : i32
      %while3A_216 = scf.for %while3A_238 = %while3A_207 to %while3A_214 step %while3A_215 iter_args(%while3A_239 = %while3A_208) -> (i32)  : i32 {
        %mul3A_240 = arith.constant 16 : i32
        %mul3A_241 = arith.muli %while3A_238, %mul3A_240 : i32
        %get3A = arith.index_cast %mul3A_241 : i32 to index
        %get3A_242 = tpu.vector_load %arg10[%get3A] {strides = array<i32>} : memref<1024xi32, #tpu.memory_space<vmem>>, vector<16xi32>,
        %shift_right_arithmetic3A = arith.constant 14 : i32
        %shift_right_arithmetic3A_243 = vector.broadcast %shift_right_arithmetic3A : i32 to vector<16xi32>
        %shift_right_arithmetic3A_244 = arith.shrsi %get3A_242, %shift_right_arithmetic3A_243 : vector<16xi32>
        %eq3A = vector.broadcast %min3A_206 : i32 to vector<16xi32>
        %eq3A_245 = arith.cmpi eq, %shift_right_arithmetic3A_244, %eq3A : vector<16xi32>
        %mul3A_246 = arith.constant 16 : i32
        %mul3A_247 = arith.muli %while3A_238, %mul3A_246 : i32
        %add3A_248 = vector.broadcast %mul3A_247 : i32 to vector<16xi32>
        %add3A_249 = arith.addi %add3A_248, %iota3A : vector<16xi32>
        %lt3A_250 = vector.broadcast %min3A_31 : i32 to vector<16xi32>
        %lt3A_251 = arith.cmpi slt, %add3A_249, %lt3A_250 : vector<16xi32>
        %and3A_252 = arith.andi %eq3A_245, %lt3A_251 : vector<16xi1>
        %convert_element_type3A_253 = arith.extui %and3A_252 : vector<16xi1> to vector<16xi32>
        %broadcast_in_dim3A = arith.constant true
        %broadcast_in_dim3A_254 = vector.broadcast %broadcast_in_dim3A : i1 to vector<16xi1>
        %masked_cumsum3A = tpu.scan <sum>, %convert_element_type3A_253 masked %broadcast_in_dim3A_254 : vector<16xi32>, vector<16xi1> -> vector<16xi32>
        %add3A_255 = vector.broadcast %while3A_239 : i32 to vector<16xi32>
        %add3A_256 = arith.addi %add3A_255, %masked_cumsum3A : vector<16xi32>
        %sub3A_257 = arith.constant 1 : i32
        %sub3A_258 = vector.broadcast %sub3A_257 : i32 to vector<16xi32>
        %sub3A_259 = arith.subi %add3A_256, %sub3A_258 : vector<16xi32>
        %lt3A_260 = arith.constant 64 : i32
        %lt3A_261 = vector.broadcast %lt3A_260 : i32 to vector<16xi32>
        %lt3A_262 = arith.cmpi slt, %sub3A_259, %lt3A_261 : vector<16xi32>
        %and3A_263 = arith.andi %and3A_252, %lt3A_262 : vector<16xi1>
        %and3A_264 = arith.constant 16383 : i32
        %and3A_265 = vector.broadcast %and3A_264 : i32 to vector<16xi32>
        %and3A_266 = arith.andi %get3A_242, %and3A_265 : vector<16xi32>
        tpu.vector_store_idx %arg12[%sub3A_259], %and3A_266 masked %and3A_263 : memref<64xi32, #tpu.memory_space<vmem>>[vector<16xi32>], vector<16xi32>, vector<16xi1>
        %reduce_sum3A = arith.constant true
        %reduce_sum3A_267 = vector.broadcast %reduce_sum3A : i1 to vector<16xi1>
        %reduce_sum3A_268 = tpu.scan <sum>, %convert_element_type3A_253 masked %reduce_sum3A_267 : vector<16xi32>, vector<16xi1> -> vector<16xi32>
        %reduce_sum3A_269 = vector.extract %reduce_sum3A_268[15] : i32 from vector<16xi32>
        %add3A_270 = arith.addi %while3A_239, %reduce_sum3A_269 : i32
        scf.yield %add3A_270 : i32
      }
      %while3A_217 = arith.constant 1 : i32
      %while3A_218 = scf.for %while3A_238 = %while3A_214 to %while3A_210 step %while3A_217 iter_args(%while3A_239 = %while3A_216) -> (i32)  : i32 {
        %mul3A_240 = arith.constant 16 : i32
        %mul3A_241 = arith.muli %while3A_238, %mul3A_240 : i32
        %get3A = arith.index_cast %mul3A_241 : i32 to index
        %get3A_242 = tpu.vector_load %arg10[%get3A] {strides = array<i32>} : memref<1024xi32, #tpu.memory_space<vmem>>, vector<16xi32>,
        %shift_right_arithmetic3A = arith.constant 14 : i32
        %shift_right_arithmetic3A_243 = vector.broadcast %shift_right_arithmetic3A : i32 to vector<16xi32>
        %shift_right_arithmetic3A_244 = arith.shrsi %get3A_242, %shift_right_arithmetic3A_243 : vector<16xi32>
        %eq3A = vector.broadcast %min3A_206 : i32 to vector<16xi32>
        %eq3A_245 = arith.cmpi eq, %shift_right_arithmetic3A_244, %eq3A : vector<16xi32>
        %mul3A_246 = arith.constant 16 : i32
        %mul3A_247 = arith.muli %while3A_238, %mul3A_246 : i32
        %add3A_248 = vector.broadcast %mul3A_247 : i32 to vector<16xi32>
        %add3A_249 = arith.addi %add3A_248, %iota3A : vector<16xi32>
        %lt3A_250 = vector.broadcast %min3A_31 : i32 to vector<16xi32>
        %lt3A_251 = arith.cmpi slt, %add3A_249, %lt3A_250 : vector<16xi32>
        %and3A_252 = arith.andi %eq3A_245, %lt3A_251 : vector<16xi1>
        %convert_element_type3A_253 = arith.extui %and3A_252 : vector<16xi1> to vector<16xi32>
        %broadcast_in_dim3A = arith.constant true
        %broadcast_in_dim3A_254 = vector.broadcast %broadcast_in_dim3A : i1 to vector<16xi1>
        %masked_cumsum3A = tpu.scan <sum>, %convert_element_type3A_253 masked %broadcast_in_dim3A_254 : vector<16xi32>, vector<16xi1> -> vector<16xi32>
        %add3A_255 = vector.broadcast %while3A_239 : i32 to vector<16xi32>
        %add3A_256 = arith.addi %add3A_255, %masked_cumsum3A : vector<16xi32>
        %sub3A_257 = arith.constant 1 : i32
        %sub3A_258 = vector.broadcast %sub3A_257 : i32 to vector<16xi32>
        %sub3A_259 = arith.subi %add3A_256, %sub3A_258 : vector<16xi32>
        %lt3A_260 = arith.constant 64 : i32
        %lt3A_261 = vector.broadcast %lt3A_260 : i32 to vector<16xi32>
        %lt3A_262 = arith.cmpi slt, %sub3A_259, %lt3A_261 : vector<16xi32>
        %and3A_263 = arith.andi %and3A_252, %lt3A_262 : vector<16xi1>
        %and3A_264 = arith.constant 16383 : i32
        %and3A_265 = vector.broadcast %and3A_264 : i32 to vector<16xi32>
        %and3A_266 = arith.andi %get3A_242, %and3A_265 : vector<16xi32>
        tpu.vector_store_idx %arg12[%sub3A_259], %and3A_266 masked %and3A_263 : memref<64xi32, #tpu.memory_space<vmem>>[vector<16xi32>], vector<16xi32>, vector<16xi1>
        %reduce_sum3A = arith.constant true
        %reduce_sum3A_267 = vector.broadcast %reduce_sum3A : i1 to vector<16xi1>
        %reduce_sum3A_268 = tpu.scan <sum>, %convert_element_type3A_253 masked %reduce_sum3A_267 : vector<16xi32>, vector<16xi1> -> vector<16xi32>
        %reduce_sum3A_269 = vector.extract %reduce_sum3A_268[15] : i32 from vector<16xi32>
        %add3A_270 = arith.addi %while3A_239, %reduce_sum3A_269 : i32
        scf.yield %add3A_270 : i32
      }
      %min3A_219 = arith.constant 64 : i32
      %min3A_220 = arith.minsi %while3A_218, %min3A_219 : i32
      %while3A_221 = arith.constant 0 : i32
      %while3A_222 = arith.constant 0 : i32
      %while3A_223 = arith.subi %scan3A_103, %while3A_222 : i32
      %while3A_224 = arith.addi %while3A_222, %while3A_223 : i32
      %while3A_225 = arith.constant 1 : i32
      %while3A_226 = arith.divsi %while3A_223, %while3A_225 : i32
      %while3A_227 = arith.muli %while3A_226, %while3A_225 : i32
      %while3A_228 = arith.addi %while3A_222, %while3A_227 : i32
      %while3A_229 = arith.constant 1 : i32
      scf.for %while3A_238 = %while3A_222 to %while3A_228 step %while3A_229  : i32 {
        %dma_wait3A_239 = arith.constant 0 : i32
        %dma_wait3A_240 = arith.constant 0 : i32
        %dma_wait3A_241 = arith.constant 0 : i32
        %dma_wait3A_242 = tpu.memref_slice %arg5[%dma_wait3A_239, %dma_wait3A_240, %dma_wait3A_241] : memref<16384x32x768xf32, #tpu.memory_space<hbm>> -> memref<1x32x768xf32, #tpu.memory_space<hbm>>
        %dma_wait3A_243 = arith.constant 0 : i32
        %dma_wait3A_244 = arith.constant 0 : i32
        %dma_wait3A_245 = arith.constant 0 : i32
        %dma_wait3A_246 = tpu.memref_slice %arg5[%dma_wait3A_243, %dma_wait3A_244, %dma_wait3A_245] : memref<16384x32x768xf32, #tpu.memory_space<hbm>> -> memref<1x32x768xf32, #tpu.memory_space<hbm>>
        tpu.wait_dma2 semaphore(%arg18 : memref<!tpu.dma_semaphore, #tpu.memory_space<semaphore_mem>>) src(%arg13 : memref<1x32x768xf32, #tpu.memory_space<vmem>>) dst(%dma_wait3A_246 : memref<1x32x768xf32, #tpu.memory_space<hbm>>)
      }
      %while3A_230 = arith.constant 1 : i32
      scf.for %while3A_238 = %while3A_228 to %while3A_224 step %while3A_230  : i32 {
        %dma_wait3A_239 = arith.constant 0 : i32
        %dma_wait3A_240 = arith.constant 0 : i32
        %dma_wait3A_241 = arith.constant 0 : i32
        %dma_wait3A_242 = tpu.memref_slice %arg5[%dma_wait3A_239, %dma_wait3A_240, %dma_wait3A_241] : memref<16384x32x768xf32, #tpu.memory_space<hbm>> -> memref<1x32x768xf32, #tpu.memory_space<hbm>>
        %dma_wait3A_243 = arith.constant 0 : i32
        %dma_wait3A_244 = arith.constant 0 : i32
        %dma_wait3A_245 = arith.constant 0 : i32
        %dma_wait3A_246 = tpu.memref_slice %arg5[%dma_wait3A_243, %dma_wait3A_244, %dma_wait3A_245] : memref<16384x32x768xf32, #tpu.memory_space<hbm>> -> memref<1x32x768xf32, #tpu.memory_space<hbm>>
        tpu.wait_dma2 semaphore(%arg18 : memref<!tpu.dma_semaphore, #tpu.memory_space<semaphore_mem>>) src(%arg13 : memref<1x32x768xf32, #tpu.memory_space<vmem>>) dst(%dma_wait3A_246 : memref<1x32x768xf32, #tpu.memory_space<hbm>>)
      }
      %add3A_231 = arith.constant 1 : i32
      %add3A_232 = arith.addi %add3A_173, %add3A_231 : i32
      %lt3A_233 = arith.constant 32 : i32
      %lt3A_234 = arith.cmpi slt, %add3A_232, %lt3A_233 : i32
      %convert_element_type3A_235 = arith.extui %lt3A_234 : i1 to i32
      %cond3A_236 = arith.constant 0 : i32
      %cond3A_237 = arith.cmpi ne, %convert_element_type3A_235, %cond3A_236 : i32
      scf.if %cond3A_237 {
        %add3A_238 = arith.constant 1 : i32
        %add3A_239 = arith.addi %add3A_173, %add3A_238 : i32
        %mul3A_240 = arith.constant 32 : i32
        %mul3A_241 = arith.muli %mul3A_240, %add3A_239 : i32
        %add3A_242 = arith.addi %add3A, %mul3A_241 : i32
        %min3A_243 = arith.constant 999 : i32
        %min3A_244 = arith.minsi %add3A_242, %min3A_243 : i32
        %dma_start3A_245 = arith.constant 0 : i32
        %dma_start3A_246 = arith.constant 0 : i32
        %dma_start3A_247 = tpu.memref_slice %arg3[%min3A_244, %dma_start3A_245, %dma_start3A_246] : memref<1000x32x768xf32, #tpu.memory_space<hbm>> -> memref<1x32x768xf32, #tpu.memory_space<hbm>>
        %dma_start3A_248 = arith.constant 0 : i32
        %dma_start3A_249 = arith.constant 0 : i32
        %dma_start3A_250 = tpu.memref_slice %arg3[%min3A_244, %dma_start3A_248, %dma_start3A_249] : memref<1000x32x768xf32, #tpu.memory_space<hbm>> -> memref<1x32x768xf32, #tpu.memory_space<hbm>>
        tpu.enqueue_dma source(%dma_start3A_250 : memref<1x32x768xf32, #tpu.memory_space<hbm>>) target(%arg13 : memref<1x32x768xf32, #tpu.memory_space<vmem>>) target_semaphore(%arg16 : memref<!tpu.dma_semaphore, #tpu.memory_space<semaphore_mem>>)
      } else {
      }
      scf.yield %min3A_152, %min3A_220, %scan3A_104 : i32, i32, i32
    }
    %scan3A_91 = arith.constant 16 : i32
    %while3A_92 = arith.constant 0 : i32
    %while3A_93 = arith.constant 0 : i32
    %while3A_94 = arith.subi %scan3A_90#2, %while3A_93 : i32
    %while3A_95 = arith.addi %while3A_93, %while3A_94 : i32
    %while3A_96 = arith.constant 1 : i32
    %while3A_97 = arith.divsi %while3A_94, %while3A_96 : i32
    %while3A_98 = arith.muli %while3A_97, %while3A_96 : i32
    %while3A_99 = arith.addi %while3A_93, %while3A_98 : i32
    %while3A_100 = arith.constant 1 : i32
    scf.for %while3A_102 = %while3A_93 to %while3A_99 step %while3A_100  : i32 {
      %dma_wait3A = arith.constant 0 : i32
      %dma_wait3A_103 = arith.constant 0 : i32
      %dma_wait3A_104 = arith.constant 0 : i32
      %dma_wait3A_105 = tpu.memref_slice %arg5[%dma_wait3A, %dma_wait3A_103, %dma_wait3A_104] : memref<16384x32x768xf32, #tpu.memory_space<hbm>> -> memref<1x32x768xf32, #tpu.memory_space<hbm>>
      %dma_wait3A_106 = arith.constant 0 : i32
      %dma_wait3A_107 = arith.constant 0 : i32
      %dma_wait3A_108 = arith.constant 0 : i32
      %dma_wait3A_109 = tpu.memref_slice %arg5[%dma_wait3A_106, %dma_wait3A_107, %dma_wait3A_108] : memref<16384x32x768xf32, #tpu.memory_space<hbm>> -> memref<1x32x768xf32, #tpu.memory_space<hbm>>
      tpu.wait_dma2 semaphore(%arg19 : memref<!tpu.dma_semaphore, #tpu.memory_space<semaphore_mem>>) src(%arg14 : memref<1x32x768xf32, #tpu.memory_space<vmem>>) dst(%dma_wait3A_109 : memref<1x32x768xf32, #tpu.memory_space<hbm>>)
    }
    %while3A_101 = arith.constant 1 : i32
    scf.for %while3A_102 = %while3A_99 to %while3A_95 step %while3A_101  : i32 {
      %dma_wait3A = arith.constant 0 : i32
      %dma_wait3A_103 = arith.constant 0 : i32
      %dma_wait3A_104 = arith.constant 0 : i32
      %dma_wait3A_105 = tpu.memref_slice %arg5[%dma_wait3A, %dma_wait3A_103, %dma_wait3A_104] : memref<16384x32x768xf32, #tpu.memory_space<hbm>> -> memref<1x32x768xf32, #tpu.memory_space<hbm>>
      %dma_wait3A_106 = arith.constant 0 : i32
      %dma_wait3A_107 = arith.constant 0 : i32
      %dma_wait3A_108 = arith.constant 0 : i32
      %dma_wait3A_109 = tpu.memref_slice %arg5[%dma_wait3A_106, %dma_wait3A_107, %dma_wait3A_108] : memref<16384x32x768xf32, #tpu.memory_space<hbm>> -> memref<1x32x768xf32, #tpu.memory_space<hbm>>
      tpu.wait_dma2 semaphore(%arg19 : memref<!tpu.dma_semaphore, #tpu.memory_space<semaphore_mem>>) src(%arg14 : memref<1x32x768xf32, #tpu.memory_space<vmem>>) dst(%dma_wait3A_109 : memref<1x32x768xf32, #tpu.memory_space<hbm>>)
    }
    return
  }
}

</mosaic_0001>

<sc_bundles>
// kernel: _lookup.3.cloned.1.call-start
scs
__scs_entry_jumppad:
0x0: {  	(pc) =	sbr.rel $0x88, $3  }
0x1: {  	(tag) =	ssettag $0x0;
	lr =	simm.s32 $0x1  }
0x2: {  	[smem:$0x3F9E] =	sst lr;
	_ =	strace $0xD0000000  }
0x3: {  	_ = 	snop  }
0x4: {  	_ = 	snop  }
0x5: {  	_ = 	snop  }
0x6: {  	_ = 	snop  }
0x7: {  	_ = 	snop  }
__scs_overlays_trampoline_lowered:
0x8: {  	[smem:$0x3FAD] =	sst s0  }
0x9: {  	[smem:$0x3FAE] =	sst s1  }
0xa: {  	[smem:$0x3FAF] =	sst s2  }
0xb: {  	[smem:$0x3FB0] =	sst s3  }
0xc: {  	[smem:$0x3FB1] =	sst s4  }
0xd: {  	[smem:$0x3FB2] =	sst s5  }
0xe: {  	[smem:$0x3FB3] =	sst s6  }
0xf: {  	[smem:$0x3FB4] =	sst s7  }
0x10: {  	[smem:$0x3FB5] =	sst s8  }
0x11: {  	[smem:$0x3FB6] =	sst s9;
	s0 =	simm.s32 @!p0 $0x0  }
0x12: {  	s1 =	sld [smem:$0x3F9C];
	s0 =	simm.s32 @p0 $0x1  }
0x13: {  	[smem:$0x3FB7] =	sst s0;
	s0 =	simm.s32 @!p1 $0x0  }
0x14: {  	s2 =	sld [smem:$0x3F9B];
	s0 =	simm.s32 @p1 $0x1  }
0x15: {  	[smem:$0x3FB8] =	sst s0;
	s0 =	simm.s32 @!p2 $0x0  }
0x16: {  	s3 =	sld [smem:$0x3FDB];
	s0 =	simm.s32 @p2 $0x1  }
0x17: {  	s4 =	simm.s32 $0x1BF5;
	[smem:$0x3FBA] =	sst s0  }
0x18: {  	s0 =	sld [smem:$0x3F9D];
	_ =	swait.ge [sflag:s4], $0x0  }
0x19: {  	s7 =	sld [smem:$0x3F9E]  }
0x1a: {  	s8 =	sadd.s32 $0xFFFFE003, lr  }
0x1b: {  	s9 =	sadd.s32 $0xFFFFFEF7, lr;
	s5 =	simm.s32 $0xFFFFFFFF;
	p2 =	slt.u32 s8, $0xFFFFF086  }
0x1c: {  	p1 =	slt.u32 s9, $0xF7A;
	s5 =	simm.s32 @!p2 $0x0  }
0x1d: {  	s5 =	simm.s32 @p1 $0x1;
	p0 =	seq.s32 s7, s2  }
0x1e: {  	s7 =	smul.u32 @!p0 $0xF7A, s2;
	p2 =	seq.s32 @!p0 s5, $0x0  }
0x1f: {  	s9 =	smul.u32 $0xF7A, s1;
	s8 =	simm.s32 @!p0 $0x1BF5;
	p2 =	por !p2, p0  }
0x20: {  	[sflag:s8] =	ssyncset.s32 @!p0 $0xFFFFF086;
	s6 =	sadd.s32 @!p0 s3, s7;
	s7 =	simm.s32 @!p0 $0x108  }
0x21: {  	s3 =	sadd.s32 s3, s9;
	s6 =	sadd.s32 @!p0 $0x88, s6;
	s7 =	simm.s32 @p2 $0x1082  }
0x22: {  	[simem:s7], [sflag:s8] =	dma.local @!p0 [hbm:s6], $0xF7A  }
0x23: {  	s9 =	sor.u32 $0xD0000000, s2;
	s6 =	simm.s32 $0x108;
	_ =	swait.ge @!p0 [sflag:s8], $0x0  }
0x24: {  	s3 =	sadd.s32 $0x88, s3;
	s6 =	simm.s32 @!p1 $0x1082;
	[sflag:s4] =	ssyncset.s32 $0xFFFFF086  }
0x25: {  	[simem:s6], [sflag:s4] =	dma.local [hbm:s3], $0xF7A  }
0x26: {  	[smem:$0x3F9E] =	sst s1;
	(tag) =	ssettag s2;
	_ =	strace s9  }
0x27: {  	s1 =	sld [smem:$0x3FAE]  }
0x28: {  	s2 =	sld [smem:$0x3FAF]  }
0x29: {  	s4 =	sld [smem:$0x3FB1]  }
0x2a: {  	p0 =	seq.s32 s5, $0x0;
	s5 =	sld [smem:$0x3FB2]  }
0x2b: {  	s6 =	sld [smem:$0x3FB3]  }
0x2c: {  	s7 =	sld [smem:$0x3FB4]  }
0x2d: {  	s3 =	simm.s32 $0x108;
	s8 =	sld [smem:$0x3FB5]  }
0x2e: {  	s3 =	simm.s32 @!p0 $0x1082;
	s9 =	sld [smem:$0x3FB6]  }
0x2f: {  	lr =	sadd.s32 s0, s3;
	s0 =	sld [smem:$0x3FAD]  }
0x30: {  	s3 =	sld [smem:$0x3FB0]  }
0x31: {  	[smem:$0x3FB9] =	sst s10  }
0x32: {  	s10 =	sld [smem:$0x3FB7];
	_ =	sdelay $0x3  }
0x33: {  	p0 =	seq.s32 s10, $0x1;
	s10 =	sld [smem:$0x3FB9];
	_ =	sdelay $0x3  }
0x34: {  	[smem:$0x3FB9] =	sst s10  }
0x35: {  	s10 =	sld [smem:$0x3FB8];
	_ =	sdelay $0x3  }
0x36: {  	p1 =	seq.s32 s10, $0x1;
	s10 =	sld [smem:$0x3FB9];
	_ =	sdelay $0x3  }
0x37: {  	[smem:$0x3FB9] =	sst s10  }
0x38: {  	s10 =	sld [smem:$0x3FBA]  }
0x39: {  	_ = 	snop;
	(pc) =	sbr.ind lr, $3  }
0x3a: {  	_ = 	snop  }
0x3b: {  	_ = 	snop  }
0x3c: {  	p2 =	seq.s32 s10, $0x1;
	s10 =	sld [smem:$0x3FB9]  }
0x3d: {  	_ =	shalt  }
0x3e: {  	_ =	shalt  }
0x3f: {  	_ =	shalt  }
0x40: {  	_ =	shalt  }
0x41: {  	_ =	shalt  }
0x42: {  	_ =	shalt  }
0x43: {  	_ =	shalt  }
0x44: {  	_ =	shalt  }
0x45: {  	_ =	shalt  }
0x46: {  	_ =	shalt  }
0x47: {  	_ =	shalt  }
0x48: {  	_ =	shalt  }
0x49: {  	_ =	shalt  }
0x4a: {  	_ =	shalt  }
0x4b: {  	_ =	shalt  }
0x4c: {  	_ =	shalt  }
0x4d: {  	_ =	shalt  }
0x4e: {  	_ =	shalt  }
0x4f: {  	_ =	shalt  }
0x50: {  	_ =	shalt  }
0x51: {  	_ =	shalt  }
0x52: {  	_ =	shalt  }
0x53: {  	_ =	shalt  }
0x54: {  	_ =	shalt  }
0x55: {  	_ =	shalt  }
0x56: {  	_ =	shalt  }
0x57: {  	_ =	shalt  }
0x58: {  	_ =	shalt  }
0x59: {  	_ =	shalt  }
0x5a: {  	_ =	shalt  }
0x5b: {  	_ =	shalt  }
0x5c: {  	_ =	shalt  }
0x5d: {  	_ =	shalt  }
0x5e: {  	_ =	shalt  }
0x5f: {  	_ =	shalt  }
0x60: {  	_ =	shalt  }
0x61: {  	_ =	shalt  }
0x62: {  	_ =	shalt  }
0x63: {  	_ =	shalt  }
0x64: {  	_ =	shalt  }
0x65: {  	_ =	shalt  }
0x66: {  	_ =	shalt  }
0x67: {  	_ =	shalt  }
0x68: {  	_ =	shalt  }
0x69: {  	_ =	shalt  }
0x6a: {  	_ =	shalt  }
0x6b: {  	_ =	shalt  }
0x6c: {  	_ =	shalt  }
0x6d: {  	_ =	shalt  }
0x6e: {  	_ =	shalt  }
0x6f: {  	_ =	shalt  }
0x70: {  	_ =	shalt  }
0x71: {  	_ =	shalt  }
0x72: {  	_ =	shalt  }
0x73: {  	_ =	shalt  }
0x74: {  	_ =	shalt  }
0x75: {  	_ =	shalt  }
0x76: {  	_ =	shalt  }
0x77: {  	_ =	shalt  }
0x78: {  	_ =	shalt  }
0x79: {  	_ =	shalt  }
0x7a: {  	_ =	shalt  }
0x7b: {  	_ =	shalt  }
0x7c: {  	_ =	shalt  }
0x7d: {  	_ =	shalt  }
0x7e: {  	_ =	shalt  }
0x7f: {  	_ =	shalt  }
0x80: {  	_ =	shalt  }
0x81: {  	_ =	shalt  }
0x82: {  	_ =	shalt  }
0x83: {  	_ =	shalt  }
0x84: {  	_ =	shalt  }
0x85: {  	_ =	shalt  }
0x86: {  	_ =	shalt  }
0x87: {  	_ =	shalt  }
.Lfunc_end0:
.L_simem_size_0:
called_computation_lowered:
.L_overlay_start_0:
0x88: {  	s2 =	sld [smem:$0x3FD9]  }
0x89: {  	s3 =	sld [smem:$0x3FFE];
	_ =	sdelay $0x1  }
0x8a: {  	s1 =	srdreg.scid  }
0x8b: {  	s0 =	sand.u32 $0x1, s1  }
0x8c: {  	s15 =	sshll.u32 s0, $0xA;
	s2 =	sadd.s32 s3, s2  }
0x8d: {  	s2 =	sadd.s32 s2, s15  }
0x8e: {  	[smem:$0x3FC5] =	sst s2  }
0x8f: {  	_ = 	snop  }
0x90: {  	s2 =	sld [smem:$0x3FD0]  }
0x91: {  	s16 =	sld [smem:$0x3FC9]  }
0x92: {  	s4 =	sld [smem:$0x3FC8]  }
0x93: {  	s6 =	simm.s32 $0xA;
	s7 =	simm.s32 $0x10;
	s5 =	sld [smem:$0x3FC7]  }
0x94: {  	[smem:s7], [sflag:s6] =	dma.local [hbm:s2], $0x1  }
0x95: {  	_ =	swait.eq [sflag:s6], $0x1  }
0x96: {  	[sflag:s6] =	ssyncset.done $0x0  }
0x97: {  	s17 =	sld [smem:$0x10];
	[sflag:s6] =	ssyncadd.s32 $0xFFFFFFFF  }
0x98: {  	s18 =	sld [smem:$0x11];
	(tm) =	ssettm $0x1  }
0x99: {  	s19 =	sld [smem:$0x3FFB];
	_ =	sdelay $0x3  }
0x9a: {  	_ =	strace s19  }
0x9b: {  	s7 =	sld [smem:$0x3FFC];
	_ =	sdelay $0x3  }
0x9c: {  	_ =	strace s7  }
0x9d: {  	s7 =	sld [smem:$0x3FFD];
	_ =	sdelay $0x3  }
0x9e: {  	_ =	strace s7  }
0x9f: {  	_ =	strace $0x8FFFFFFF  }
0xa0: {  	s20 =	sld [smem:$0x3FDB];
	_ =	sdelay $0x1  }
0xa1: {  	s8 =	simm.s32 $_scs_section_size  }
0xa2: {  	s9 =	simm.s32 $_size__tile_overlayer_lowered;
	s10 =	simm.s32 $_tile_overlayer_lowered  }
0xa3: {  	s23 =	simm.s32 $0x1BFF;
	s22 =	sshll.u32 s10, $0x1;
	s7 =	sadd.s32 s8, s20  }
0xa4: {  	s11 =	simm.s32 $0x0;
	s21 =	sshll.u32 s9, $0x1;
	s9 =	sadd.s32 s22, s7  }
0xa5: {  	[timem:s11], [sflag:s23] =	dma.local [hbm:s9], s21  }
0xa6: {  	_ =	swait.ge [sflag:s23], s21  }
0xa7: {  	s8 =	ssub.s32 $0x0, s21;
	[sflag:s23] =	ssyncset.done $0x0  }
0xa8: {  	[sflag:s23] =	ssyncadd.s32 s8;
	_ =	sdelay $0x1  }
0xa9: {  	s24 =	simm.s32 $0x1B8B  }
0xaa: {  	_ =	swait.ge [sflag:s24], $0x1  }
0xab: {  	[sflag:s24] =	ssyncset.done $0x0  }
0xac: {  	s25 =	simm.s32 $0x1B8E;
	[sflag:s24] =	ssyncadd.s32 $0xFFFFFFFF  }
0xad: {  	s26 =	simm.s32 $execute0_lowered;
	[smem:$0x3FD2] =	sst s25  }
0xae: {  	s8 =	sshll.u32 s26, $0x1;
	_ =	strace $0x80000046;
	[dreg:$0x1] =	wrdreg $0xFFFFFFFF  }
0xaf: {  	s28 =	simm.s32 $_size_execute0_lowered;
	s7 =	sadd.s32 s7, s8;
	[dreg:$0x0] =	wrdreg $0x0  }
0xb0: {  	s8 =	sshll.u32 s28, $0x1;
	[dreg:$0x2] =	wrdreg s7  }
0xb1: {  	[dreg:$0x3] =	wrdreg s8  }
0xb2: {  	[dreg:$0x4] =	wrdreg $0xC0  }
0xb3: {  	_ =	task [dreg:s11], $0x5FFFF  }
0xb4: {  	[dreg:$0x1] =	wrdreg $0xFFFFFFFF  }
0xb5: {  	[dreg:$0x0] =	wrdreg $0x60  }
0xb6: {  	[dreg:$0x2] =	wrdreg s16  }
0xb7: {  	[dreg:$0x3] =	wrdreg s4  }
0xb8: {  	[dreg:$0x4] =	wrdreg s5  }
0xb9: {  	[dreg:$0x5] =	wrdreg s17  }
0xba: {  	[dreg:$0x6] =	wrdreg s18  }
0xbb: {  	[dreg:$0x7] =	wrdreg $0x9  }
0xbc: {  	_ =	task.clear_ibuf [dreg:s11], $0x8FFFF;
	_ =	strace $0x90000046  }
0xbd: {  	s29 =	simm.s32 $0x9;
	_ =	strace $0x80000048  }
0xbe: {  	_ =	swait.ge [sflag:s29], $0x1  }
0xbf: {  	[sflag:s29] =	ssyncadd.s32 $0xFFFFFFFF  }
0xc0: {  	_ =	strace $0x90000048  }
0xc1: {  	_ =	sfence  }
0xc2: {  	s30 =	sld [smem:$0x0];
	_ =	sdelay $0x2  }
0xc3: {  	s31 =	sshll.u32 s1, $0xD;
	s1 =	sshrl.u32 s1, $0x2  }
0xc4: {  	s3 =	sand.u32 $0x4000, s31;
	s1 =	sadd.s32 s1, s30  }
0xc5: {  	s0 =	sor.u32 s3, s0;
	s1 =	sshll.u32 s1, $0x11  }
0xc6: {  	s0 =	sor.u32 s1, s0  }
0xc7: {  	s0 =	sadd.s32 $0x8F2B, s0  }
0xc8: {  	[sflag:s0] =	ssyncadd.remote.s32 $0x1  }
0xc9: {  	_ =	sfence.sel $0xFFFF  }
0xca: {  	[dreg:$0x0] =	wrdreg $0xFFFFFFFF;
	(pc) =	sbr.abs _section_cstart, $3  }
0xcb: {  	[dreg:$0x1] =	wrdreg $0xFFFFFFFF  }
0xcc: {  	_ =	task.clear_ibuf [dreg:s11], $0x2FFFF;
	_ =	strace $0x9FFFFFFF  }
0xcd: {  	(tm) =	ssettm $0x7FFFFFFF  }
tec
execute0_lowered:
.L_overlay_start_1:
0x0: {  	(tag) =	ssettag $0x1  }
0x1: {  	s2 =	rddreg [dreg:$0x0]  }
0x2: {  	s10 =	rddreg [dreg:$0x1]  }
0x3: {  	s3 =	rddreg [dreg:$0x2]  }
0x4: {  	s5 =	rddreg [dreg:$0x3]  }
0x5: {  	s0 =	srdreg.scid;
	s4 =	stileid.u32  }
0x6: {  	s1 =	rddreg [dreg:$0x4];
	s6 =	simm.s32 $0x0;
	s16 =	simm.s32 $0xF00  }
0x7: {  	s21 =	simm.s32 $0x6;
	s22 =	simm.s32 $0xA00;
	s23 =	simm.s32 $0x1  }
0x8: {  	s24 =	simm.s32 $0xE00;
	s25 =	simm.s32 $0xE80;
	s28 =	simm.s32 $0x6F00  }
0x9: {  	s29 =	simm.s32 $0x2;
	s30 =	simm.s32 $0x3;
	s17 =	simm.s32 $0x400  }
0xa: {  	s0 =	sand.u32 $0x1, s0;
	s4 =	sshll.u32 s4, $0x1;
	[smem:$0x7FF] =	sst s6  }
0xb: {  	s12 =	smov.u32 s10;
	s19 =	sadd.s32 $0x80, s2;
	s11 =	sadd.s32 $0x100, s2  }
0xc: {  	s7 =	sor.u32 s0, s4;
	s0 =	ssub.s32 $0x2, s0;
	_ =	strace $0x80000047  }
0xd: {  	[dreg:$0x8] =	wrdreg s19;
	s4 =	smul.u32 $0xC00, s7;
	s8 =	sshrl.u32 s0, $0x1  }
0xe: {  	s9 =	sshll.u32 s7, $0x6;
	s20 =	sor.u32 $0x20, s7;
	s26 =	sor.u32 $0x60, s7  }
.Ltmp0:
0xf: {  	s18 =	sadd.s32 s2, s9;
	[dreg:$0xa] =	wrdreg s26;
	(pc) =	sbr.rel .LBB2_1-.Ltmp0, $4  }
0x10: {  	s31 =	sshll.u32 s7, $0xD;
	s2 =	sadd.s32 $0x180, s2;
	[dreg:$0x7] =	wrdreg s18  }
0x11: {  	s0 =	ssub.s32 s0, s8;
	s4 =	sadd.s32 s10, s4;
	[dreg:$0x9] =	wrdreg s2  }
0x12: {  	v2 =	vimm.s32 $0x0;
	s14 =	sadd.s32 s1, s31;
	s0 =	smax.u32 s0, $0x1;
	[dreg:$0x6] =	wrdreg s4  }
0x13: {  	v3 =	vlaneseq.u32;
	v1 =	vmov s7;
	v0 =	vmov s20;
	s26 =	simm.s32 $0x4;
	s1 =	simm.s32 $0x0;
	[dreg:$0xb] =	wrdreg s0  }
.LBB2_58:
0x14: {  	[sflag:s26] =	ssyncadd.s32 $0xFFFFA000  }
.LBB2_59:
0x15: {  	s1 =	sadd.s32 $0x1, s1;
	s0 =	rddreg [dreg:$0xb]  }
0x16: {  	p0 =	sne.s32 s1, s0  }
.Ltmp1:
0x17: {  	_ = 	snop;
	(pc) =	sbr.rel @!p0 .LBB2_60-.Ltmp1, $1  }
0x18: {  	_ =	sdelay $0x3  }
.LBB2_1:
0x19: {  	[dreg:$0xc] =	wrdreg s1  }
0x1a: {  	s0 =	rddreg [dreg:$0x6]  }
0x1b: {  	[tilespmem:s16], [sflag:$0x1] =	stream.linear.gather [hbm4b:s0+s6], $0x6000, $0x38;
	[tilespmem:$0xDF00] =	vst v63  }
0x1c: {  	s13 =	rddreg [dreg:$0x7];
	s15 =	simm.s32 $0x800;
	s18 =	simm.s32 $0x7  }
0x1d: {  	[tilespmem:s15], [sflag:$0x7] =	stream.linear.gather [hbm4b:s13+s6], $0x200, $0x38;
	[tilespmem:$0xDF00] =	vst v63  }
0x1e: {  	_ =	swait.ge [sflag:s18], $0x200  }
0x1f: {  	[sflag:s18] =	ssyncset.done $0x0  }
0x20: {  	s19 =	simm.s32 $0x20;
	s4 =	simm.s32 $0xCF00;
	[sflag:s18] =	ssyncadd.s32 $0xFFFFFE00  }
0x21: {  	[tilespmem:s4], [sflag:$0x5] =	stream.indirect.gather [hbm4b:s3+s19], $0x80, s15, s19, $0xb8;
	[tilespmem:$0xDF00] =	vst v63  }
0x22: {  	s1 =	simm.s32 $0x0;
	s9 =	simm.s32 $0x0;
	s20 =	rddreg [dreg:$0x0]  }
0x23: {  	[tilespmem:s6], [sflag:$0x6] =	stream.linear.gather [hbm4b:s20+s6], $0x400, $0x38;
	[tilespmem:$0xDF00] =	vst v63  }
0x24: {  	s8 =	simm.s32 $0x0;
	s0 =	simm.s32 $0x400;
	s31 =	rddreg [dreg:$0x8]  }
0x25: {  	[tilespmem:s17], [sflag:$0x6] =	stream.linear.gather [hbm4b:s31+s6], $0x400, $0x38;
	[tilespmem:$0xDF00] =	vst v63  }
.LBB2_2:
0x26: {  	_ =	swait.ge [sflag:s21], $0x400  }
0x27: {  	[sflag:s21] =	ssyncset.done $0x0  }
0x28: {  	s4 =	simm.s32 $0x0;
	[sflag:s21] =	ssyncadd.s32 $0xFFFFFC00  }
0x29: {  	v4 =	vld [tilespmem:s4+$0x0];
	_ =	sdelay $0x4  }
0x2a: {  	v5 =	vand.u32 $0x1F, v4  }
0x2b: {  	vm0 =	veq.s32 v5, v1  }
0x2c: {  	v5 =	vsel vm0, $0x1, v2  }
0x2d: {  	(xrf0) =	vadd.scan.msk.s32 $0xffff, v5;
	_ =	sdelay $0x2  }
0x2e: {  	v5 =	vmov s9  }
0x2f: {  	v5 =	vadd.s32 $0xFFFFFFFF, v5  }
0x30: {  	v5 =	vbroadcast v5, $0x0  }
0x31: {  	v6, _, _ =	vpop (xrf0)  }
0x32: {  	v5 =	vadd.s32 v6, v5;
	(v2sf) =	vpush v6, $0xF  }
0x33: {  	vm1 =	vlt.s32 v5, $0x400  }
0x34: {  	vm0 =	vmand vm0, vm1;
	_ =	sdelay $0x2  }
0x35: {  	v4 =	vshll.u32 v4, $0xE  }
0x36: {  	v4 =	vadd.s32 s1, v4  }
0x37: {  	v4 =	vadd.s32 v3, v4  }
0x38: {  	s13 =	simm.s32 $0x10;
	s10 =	smov.u32 s1;
	s4 =	simm.s32 $0x80;
	[tilespmem:v5+s22+$0x0] =	vst.idx.msk vm0, v4  }
.LBB2_3:
0x39: {  	p0 =	sne.s32 s4, $0xFC0;
	v4 =	vld [tilespmem:s13+$0x0];
	_ =	sdelay $0x4  }
0x3a: {  	v5 =	vand.u32 $0x1F, v4;
	v4 =	vshll.u32 v4, $0xE  }
0x3b: {  	vm0 =	veq.s32 v5, v1;
	s13 =	spop (v2sf)  }
0x3c: {  	v5 =	vsel vm0, $0x1, v2;
	s9 =	sadd.s32 s9, s13  }
0x3d: {  	v6 =	vmov s9;
	(xrf0) =	vadd.scan.msk.s32 $0xffff, v5  }
0x3e: {  	v5 =	vadd.s32 $0xFFFFFFFF, v6  }
0x3f: {  	v5 =	vbroadcast v5, $0x0;
	_ =	sdelay $0x3  }
0x40: {  	v6, _, _ =	vpop (xrf0)  }
0x41: {  	v5 =	vadd.s32 v6, v5;
	(v2sf) =	vpush v6, $0xF  }
0x42: {  	vm1 =	vlt.s32 v5, $0x400  }
0x43: {  	vm0 =	vmand vm0, vm1;
	_ =	sdelay $0x1  }
.Ltmp2:
0x44: {  	(pc) =	sbr.rel @p0 .LBB2_3-.Ltmp2, $4  }
0x45: {  	s10 =	sadd.s32 $0x10, s10  }
0x46: {  	v4 =	vadd.s32 s10, v4  }
0x47: {  	v4 =	vadd.s32 v3, v4  }
0x48: {  	s13 =	sshra.s32 s4, $0x2;
	s4 =	sadd.s32 $0x40, s4;
	[tilespmem:v5+s22+$0x0] =	vst.idx.msk vm0, v4  }
0x49: {  	v4 =	vld [tilespmem:s13+$0x0];
	_ =	sdelay $0x4  }
0x4a: {  	v5 =	vand.u32 $0x1F, v4  }
0x4b: {  	vm0 =	veq.s32 v5, v1  }
0x4c: {  	v5 =	vsel vm0, $0x1, v2  }
0x4d: {  	(xrf0) =	vadd.scan.msk.s32 $0xffff, v5;
	_ =	sdelay $0x5  }
0x4e: {  	s4 =	spop (v2sf);
	v5, _, _ =	vpop (xrf0)  }
0x4f: {  	s4 =	sadd.s32 s9, s4;
	(v2sf) =	vpush v5, $0xF  }
0x50: {  	v6 =	vmov s4  }
0x51: {  	v6 =	vadd.s32 $0xFFFFFFFF, v6  }
0x52: {  	v6 =	vbroadcast v6, $0x0;
	_ =	sdelay $0x1  }
0x53: {  	v5 =	vadd.s32 v5, v6  }
0x54: {  	vm1 =	vlt.s32 v5, $0x400  }
0x55: {  	vm0 =	vmand vm0, vm1;
	_ =	sdelay $0x2  }
0x56: {  	s19 =	sadd.s32 $0x10, s10;
	v4 =	vshll.u32 v4, $0xE  }
0x57: {  	v4 =	vadd.s32 s19, v4  }
0x58: {  	s10 =	sshll.u32 s8, $0x8;
	p0 =	seq.s32 s8, $0x7;
	v4 =	vadd.s32 v3, v4  }
0x59: {  	s13 =	sadd.s32 @!p0 s10, s11;
	s15 =	simm.s32 @!p0 $0x0;
	[tilespmem:v5+s22+$0x0] =	vst.idx.msk vm0, v4  }
0x5a: {  	[tilespmem:s15], [sflag:$0x6] =	stream.linear.gather @!p0 [hbm4b:s13+s15], $0x400, $0x38;
	[tilespmem:$0xDF00] =	vst v63  }
0x5b: {  	s20 =	spop (v2sf)  }
0x5c: {  	_ =	swait.ge [sflag:s21], $0x400  }
0x5d: {  	[sflag:s21] =	ssyncset.done $0x0  }
0x5e: {  	s31 =	simm.s32 $0x0;
	[sflag:s21] =	ssyncadd.s32 $0xFFFFFC00  }
0x5f: {  	v4 =	vld [tilespmem:s31+$0x400];
	_ =	sdelay $0x4  }
0x60: {  	v5 =	vand.u32 $0x1F, v4  }
0x61: {  	vm14 =	veq.s32 v5, v1  }
0x62: {  	v5 =	vsel vm14, $0x1, v2  }
0x63: {  	(xrf0) =	vadd.scan.msk.s32 $0xffff, v5;
	_ =	sdelay $0x1  }
0x64: {  	s9 =	sadd.s32 s4, s20  }
0x65: {  	v5 =	vmov s9  }
0x66: {  	v5 =	vadd.s32 $0xFFFFFFFF, v5  }
0x67: {  	v5 =	vbroadcast v5, $0x0  }
0x68: {  	v63, _, _ =	vpop (xrf0)  }
0x69: {  	v5 =	vadd.s32 v63, v5;
	(v2sf) =	vpush v63, $0xF  }
0x6a: {  	vm15 =	vlt.s32 v5, $0x400  }
0x6b: {  	vm0 =	vmand vm14, vm15;
	_ =	sdelay $0x2  }
0x6c: {  	v4 =	vshll.u32 v4, $0xE  }
0x6d: {  	v4 =	vor.u32 s0, v4  }
0x6e: {  	v4 =	vor.u32 v3, v4  }
0x6f: {  	s13 =	simm.s32 $0x10;
	s15 =	smov.u32 s0;
	s4 =	simm.s32 $0x80;
	[tilespmem:v5+s22+$0x0] =	vst.idx.msk vm0, v4  }
.LBB2_5:
0x70: {  	p1 =	sne.s32 s4, $0xFC0;
	v4 =	vld [tilespmem:s13+$0x400];
	_ =	sdelay $0x4  }
0x71: {  	v5 =	vand.u32 $0x1F, v4;
	v4 =	vshll.u32 v4, $0xE  }
0x72: {  	vm0 =	veq.s32 v5, v1;
	s13 =	spop (v2sf)  }
0x73: {  	v5 =	vsel vm0, $0x1, v2;
	s9 =	sadd.s32 s9, s13  }
0x74: {  	v6 =	vmov s9;
	(xrf0) =	vadd.scan.msk.s32 $0xffff, v5  }
0x75: {  	v5 =	vadd.s32 $0xFFFFFFFF, v6  }
0x76: {  	v5 =	vbroadcast v5, $0x0;
	_ =	sdelay $0x3  }
0x77: {  	v6, _, _ =	vpop (xrf0)  }
0x78: {  	v5 =	vadd.s32 v6, v5;
	(v2sf) =	vpush v6, $0xF  }
0x79: {  	vm1 =	vlt.s32 v5, $0x400  }
0x7a: {  	vm0 =	vmand vm0, vm1;
	_ =	sdelay $0x1  }
.Ltmp3:
0x7b: {  	(pc) =	sbr.rel @p1 .LBB2_5-.Ltmp3, $4  }
0x7c: {  	s15 =	sadd.s32 $0x10, s15  }
0x7d: {  	v4 =	vor.u32 s15, v4  }
0x7e: {  	v4 =	vor.u32 v3, v4  }
0x7f: {  	s13 =	sshra.s32 s4, $0x2;
	s4 =	sadd.s32 $0x40, s4;
	[tilespmem:v5+s22+$0x0] =	vst.idx.msk vm0, v4  }
0x80: {  	v4 =	vld [tilespmem:s13+$0x400];
	_ =	sdelay $0x4  }
0x81: {  	v5 =	vand.u32 $0x1F, v4  }
0x82: {  	vm0 =	veq.s32 v5, v1  }
0x83: {  	v5 =	vsel vm0, $0x1, v2  }
0x84: {  	(xrf0) =	vadd.scan.msk.s32 $0xffff, v5;
	_ =	sdelay $0x5  }
0x85: {  	v5, _, _ =	vpop (xrf0)  }
0x86: {  	(v2sf) =	vpush v5, $0xF;
	_ =	sdelay $0x1  }
0x87: {  	s4 =	spop (v2sf)  }
0x88: {  	s4 =	sadd.s32 s9, s4  }
0x89: {  	v6 =	vmov s4  }
0x8a: {  	v6 =	vadd.s32 $0xFFFFFFFF, v6  }
0x8b: {  	v6 =	vbroadcast v6, $0x0;
	_ =	sdelay $0x1  }
0x8c: {  	v5 =	vadd.s32 v5, v6  }
0x8d: {  	vm1 =	vlt.s32 v5, $0x400  }
0x8e: {  	vm0 =	vmand vm0, vm1;
	_ =	sdelay $0x1  }
.Ltmp4:
0x8f: {  	_ = 	snop;
	(pc) =	sbr.rel @p0 .LBB2_8-.Ltmp4, $4  }
0x90: {  	s20 =	sadd.s32 $0x10, s15;
	v4 =	vshll.u32 v4, $0xE  }
0x91: {  	v4 =	vor.u32 s20, v4  }
0x92: {  	v4 =	vor.u32 v3, v4;
	s31 =	spop (v2sf)  }
0x93: {  	[tilespmem:v5+s22+$0x0] =	vst.idx.msk vm0, v4;
	s9 =	sadd.s32 s4, s31  }
.Ltmp5:
0x94: {  	(pc) =	sbr.rel .LBB2_2-.Ltmp5, $4  }
0x95: {  	_ = 	snop  }
0x96: {  	s4 =	sadd.s32 s10, s2  }
0x97: {  	s8 =	sadd.s32 $0x1, s8;
	s1 =	sadd.s32 $0x800, s1;
	s0 =	sadd.s32 $0x800, s0  }
0x98: {  	[tilespmem:s17], [sflag:$0x6] =	stream.linear.gather [hbm4b:s4+s6], $0x400, $0x38;
	[tilespmem:$0xDF00] =	vst v63  }
.LBB2_8:
0x99: {  	p0 =	slt.s32 s9, $0x400  }
0x9a: {  	p1 =	slt.s32 s9, $0xFFFFFFF2;
	s9 =	simm.s32 @!p0 $0x400  }
0x9b: {  	s0 =	sadd.s32 $0xF, s9  }
0x9c: {  	s1 =	sand.u32 $0xF, s0  }
0x9d: {  	s4 =	sshra.s32 s0, $0x1F;
	p6 =	sne.s32 s1, $0x0  }
0x9e: {  	s31 =	sshrl.u32 s4, $0x1C;
	p0 =	por !p1, !p6  }
0x9f: {  	s1 =	simm.s32 $0x1;
	s0 =	sadd.s32 s31, s0;
	p0 =	por !p0, !p0  }
0xa0: {  	s0 =	sshra.s32 s0, $0x4;
	s1 =	simm.s32 @!p0 $0x0  }
0xa1: {  	s1 =	ssub.s32 s0, s1  }
0xa2: {  	p0 =	slt.s32 s1, $0x1  }
.Ltmp6:
0xa3: {  	_ = 	snop;
	(pc) =	sbr.rel @p0 .LBB2_20-.Ltmp6, $3  }
0xa4: {  	_ =	sdelay $0x1  }
0xa5: {  	s17 =	simm.s32 $0x0  }
0xa6: {  	s19 =	simm.s32 $0x0;
	s20 =	simm.s32 $0x0;
	v4 =	vmov s9;
	s0 =	simm.s32 $0xA00  }
0xa7: {  	p2 =	sne.s32 s1, $0x1  }
.Ltmp7:
0xa8: {  	_ = 	snop;
	(pc) =	sbr.rel @!p2 .LBB2_10-.Ltmp7, $2  }
0xa9: {  	_ =	sdelay $0x2  }
0xaa: {  	v5 =	vld [tilespmem:s0+$0x0];
	s8 =	sadd.s32 $0xFFFFFFFF, s1;
	p1 =	por $0x0, $0x0  }
0xab: {  	_ =	sdelay $0x3  }
0xac: {  	v7 =	vor.u32 s17, v3;
	v6 =	vshra.s32 v5, $0xE  }
0xad: {  	vm1 =	vlt.s32 v7, v4;
	vm0 =	veq.s32 v6, v1  }
0xae: {  	vm0 =	vmand vm1, vm0  }
0xaf: {  	v6 =	vsel vm0, $0x1, v2  }
0xb0: {  	(xrf0) =	vadd.scan.msk.s32 $0xffff, v6;
	_ =	sdelay $0x2  }
0xb1: {  	v6 =	vmov s17  }
0xb2: {  	v6 =	vadd.s32 $0xFFFFFFFF, v6  }
0xb3: {  	v6 =	vbroadcast v6, $0x0  }
0xb4: {  	v7, _, _ =	vpop (xrf0)  }
0xb5: {  	v6 =	vadd.s32 v7, v6;
	(v2sf) =	vpush v7, $0xF  }
0xb6: {  	vm15 =	vlt.s32 v6, $0x40  }
0xb7: {  	vm0 =	vmand vm0, vm15;
	_ =	sdelay $0x1  }
0xb8: {  	p3 =	sne.s32 s8, $0x1  }
.Ltmp8:
0xb9: {  	_ = 	snop;
	(pc) =	sbr.rel @!p3 .LBB2_12-.Ltmp8, $4  }
0xba: {  	_ = 	snop  }
0xbb: {  	v5 =	vand.u32 $0x3FFF, v5  }
0xbc: {  	s4 =	sadd.s32 $0x10, s0;
	s9 =	sadd.s32 $0xFFFFFFFF, s8;
	[tilespmem:v6+s24+$0x0] =	vst.idx.msk vm0, v5  }
0xbd: {  	p2 =	por $0x1, $0x1;
	s8 =	simm.s32 $0x0;
	s0 =	simm.s32 $0x0;
	v5 =	vld [tilespmem:s4+$0x0]  }
.LBB2_13:
0xbe: {  	p3 =	sne.s32 s9, $0x1;
	_ =	sdelay $0x2  }
0xbf: {  	s8 =	sadd.s32 $0x10, s8  }
0xc0: {  	v7 =	vor.u32 s8, v3;
	v6 =	vshra.s32 v5, $0xE;
	v5 =	vand.u32 $0x3FFF, v5  }
0xc1: {  	vm1 =	vlt.s32 v7, v4;
	vm0 =	veq.s32 v6, v1;
	s10 =	spop (v2sf)  }
0xc2: {  	vm0 =	vmand vm1, vm0;
	s0 =	sadd.s32 s0, s10  }
0xc3: {  	v6 =	vsel vm0, $0x1, v2;
	v7 =	vmov s0  }
0xc4: {  	v7 =	vadd.s32 $0xFFFFFFFF, v7;
	(xrf0) =	vadd.scan.msk.s32 $0xffff, v6  }
0xc5: {  	v6 =	vbroadcast v7, $0x0;
	_ =	sdelay $0x4  }
0xc6: {  	v7, _, _ =	vpop (xrf0)  }
0xc7: {  	v6 =	vadd.s32 v7, v6;
	(v2sf) =	vpush v7, $0xF  }
0xc8: {  	vm1 =	vlt.s32 v6, $0x40  }
0xc9: {  	vm0 =	vmand vm0, vm1;
	_ =	sdelay $0x2  }
.Ltmp9:
0xca: {  	(pc) =	sbr.rel @p3 .LBB2_13-.Ltmp9, $3  }
0xcb: {  	_ =	sdelay $0x1  }
0xcc: {  	s4 =	sadd.s32 $0x10, s4;
	[tilespmem:v6+s24+$0x0] =	vst.idx.msk vm0, v5  }
0xcd: {  	s9 =	sadd.s32 $0xFFFFFFFF, s9;
	v5 =	vld [tilespmem:s4+$0x0]  }
.LBB2_14:
0xce: {  	_ =	sdelay $0x1  }
0xcf: {  	s4 =	sadd.s32 @p2 $0x10, s8;
	s8 =	simm.s32 $0x0  }
0xd0: {  	s8 =	smov.u32 @p2 s4  }
0xd1: {  	v7 =	vor.u32 s8, v3;
	v6 =	vshra.s32 v5, $0xE  }
0xd2: {  	vm1 =	vlt.s32 v7, v4;
	vm0 =	veq.s32 v6, v1  }
0xd3: {  	vm0 =	vmand vm1, vm0  }
0xd4: {  	v6 =	vsel vm0, $0x1, v2  }
0xd5: {  	(xrf0) =	vadd.scan.msk.s32 $0xffff, v6;
	_ =	sdelay $0x5  }
0xd6: {  	v6, _, _ =	vpop (xrf0)  }
0xd7: {  	(v2sf) =	vpush v6, $0xF;
	_ =	sdelay $0x1  }
0xd8: {  	s4 =	spop @p2 (v2sf)  }
0xd9: {  	s0 =	sadd.s32 @p2 s0, s4;
	s4 =	simm.s32 $0x0  }
0xda: {  	s4 =	smov.u32 @p2 s0  }
0xdb: {  	v7 =	vmov s4  }
0xdc: {  	v7 =	vadd.s32 $0xFFFFFFFF, v7  }
0xdd: {  	v7 =	vbroadcast v7, $0x0;
	_ =	sdelay $0x1  }
0xde: {  	v6 =	vadd.s32 v6, v7  }
0xdf: {  	vm15 =	vlt.s32 v6, $0x40  }
0xe0: {  	vm0 =	vmand vm0, vm15;
	_ =	sdelay $0x1  }
0xe1: {  	p3 =	sne.s32 s1, $0x1  }
.Ltmp10:
0xe2: {  	_ = 	snop;
	(pc) =	sbr.rel @!p3 .LBB2_15-.Ltmp10, $4  }
0xe3: {  	s20 =	spop (v2sf)  }
0xe4: {  	v5 =	vand.u32 $0x3FFF, v5;
	s19 =	sadd.s32 s4, s20  }
0xe5: {  	s31 =	simm.s32 $0xA00;
	[tilespmem:v6+s24+$0x0] =	vst.idx.msk vm0, v5;
	p2 =	slt.s32 s19, $0x40  }
0xe6: {  	s8 =	sadd.s32 $0xFFFFFFFF, s1;
	s0 =	simm.s32 $0x0;
	v5 =	vld [tilespmem:s31+$0x0];
	s19 =	simm.s32 @!p2 $0x40  }
0xe7: {  	_ =	sdelay $0x3  }
0xe8: {  	v7 =	vor.u32 s0, v3;
	v6 =	vshra.s32 v5, $0xE  }
0xe9: {  	vm1 =	vlt.s32 v7, v4;
	vm0 =	veq.s32 v6, v0  }
0xea: {  	vm0 =	vmand vm1, vm0  }
0xeb: {  	v6 =	vsel vm0, $0x1, v2  }
0xec: {  	(xrf0) =	vadd.scan.msk.s32 $0xffff, v6;
	_ =	sdelay $0x2  }
0xed: {  	v6 =	vmov s0  }
0xee: {  	v6 =	vadd.s32 $0xFFFFFFFF, v6  }
0xef: {  	v6 =	vbroadcast v6, $0x0  }
0xf0: {  	v7, _, _ =	vpop (xrf0)  }
0xf1: {  	v6 =	vadd.s32 v7, v6;
	(v2sf) =	vpush v7, $0xF  }
0xf2: {  	vm15 =	vlt.s32 v6, $0x40  }
0xf3: {  	vm0 =	vmand vm0, vm15;
	_ =	sdelay $0x1  }
0xf4: {  	p2 =	sne.s32 s8, $0x1  }
.Ltmp11:
0xf5: {  	_ = 	snop;
	(pc) =	sbr.rel @!p2 .LBB2_17-.Ltmp11, $4  }
0xf6: {  	_ = 	snop  }
0xf7: {  	v5 =	vand.u32 $0x3FFF, v5  }
0xf8: {  	s4 =	simm.s32 $0xA10;
	s10 =	sadd.s32 $0xFFFFFFFF, s8;
	[tilespmem:v6+s25+$0x0] =	vst.idx.msk vm0, v5  }
0xf9: {  	p1 =	por $0x1, $0x1;
	s9 =	simm.s32 $0x0;
	s8 =	simm.s32 $0x0;
	v5 =	vld [tilespmem:s4+$0x0]  }
.LBB2_18:
0xfa: {  	p2 =	sne.s32 s10, $0x1;
	_ =	sdelay $0x2  }
0xfb: {  	s9 =	sadd.s32 $0x10, s9  }
0xfc: {  	v7 =	vor.u32 s9, v3;
	v6 =	vshra.s32 v5, $0xE;
	v5 =	vand.u32 $0x3FFF, v5  }
0xfd: {  	vm1 =	vlt.s32 v7, v4;
	vm0 =	veq.s32 v6, v0;
	s13 =	spop (v2sf)  }
0xfe: {  	vm0 =	vmand vm1, vm0;
	s8 =	sadd.s32 s8, s13  }
0xff: {  	v6 =	vsel vm0, $0x1, v2;
	v7 =	vmov s8  }
0x100: {  	v7 =	vadd.s32 $0xFFFFFFFF, v7;
	(xrf0) =	vadd.scan.msk.s32 $0xffff, v6  }
0x101: {  	v6 =	vbroadcast v7, $0x0;
	_ =	sdelay $0x4  }
0x102: {  	v7, _, _ =	vpop (xrf0)  }
0x103: {  	v6 =	vadd.s32 v7, v6;
	(v2sf) =	vpush v7, $0xF  }
0x104: {  	vm1 =	vlt.s32 v6, $0x40  }
0x105: {  	vm0 =	vmand vm0, vm1;
	_ =	sdelay $0x2  }
.Ltmp12:
0x106: {  	(pc) =	sbr.rel @p2 .LBB2_18-.Ltmp12, $3  }
0x107: {  	_ =	sdelay $0x1  }
0x108: {  	s4 =	sadd.s32 $0x10, s4;
	[tilespmem:v6+s25+$0x0] =	vst.idx.msk vm0, v5  }
0x109: {  	s10 =	sadd.s32 $0xFFFFFFFF, s10;
	v5 =	vld [tilespmem:s4+$0x0]  }
.LBB2_19:
0x10a: {  	_ =	sdelay $0x1  }
0x10b: {  	s4 =	sadd.s32 @p1 $0x10, s9;
	s9 =	simm.s32 $0x0  }
0x10c: {  	s9 =	smov.u32 @p1 s4  }
0x10d: {  	v7 =	vor.u32 s9, v3;
	v6 =	vshra.s32 v5, $0xE  }
0x10e: {  	vm1 =	vlt.s32 v7, v4;
	vm0 =	veq.s32 v6, v0  }
0x10f: {  	vm0 =	vmand vm1, vm0  }
0x110: {  	v6 =	vsel vm0, $0x1, v2  }
0x111: {  	(xrf0) =	vadd.scan.msk.s32 $0xffff, v6;
	_ =	sdelay $0x5  }
0x112: {  	v6, _, _ =	vpop (xrf0)  }
0x113: {  	(v2sf) =	vpush v6, $0xF;
	_ =	sdelay $0x2  }
0x114: {  	s4 =	spop @p1 (v2sf)  }
0x115: {  	s4 =	sadd.s32 @p1 s8, s4  }
0x116: {  	s0 =	smov.u32 @p1 s4  }
0x117: {  	v7 =	vmov s0  }
0x118: {  	v7 =	vadd.s32 $0xFFFFFFFF, v7  }
0x119: {  	v7 =	vbroadcast v7, $0x0;
	_ =	sdelay $0x1  }
0x11a: {  	v6 =	vadd.s32 v6, v7  }
0x11b: {  	vm15 =	vlt.s32 v6, $0x40  }
0x11c: {  	vm0 =	vmand vm0, vm15;
	_ =	sdelay $0x2  }
0x11d: {  	s31 =	spop (v2sf)  }
0x11e: {  	s20 =	sadd.s32 s0, s31  }
0x11f: {  	v5 =	vand.u32 $0x3FFF, v5;
	p1 =	slt.s32 s20, $0x40  }
0x120: {  	[tilespmem:v6+s25+$0x0] =	vst.idx.msk vm0, v5;
	s20 =	simm.s32 @!p1 $0x40  }
.LBB2_20:
0x121: {  	s0 =	simm.s32 $0x0  }
.LBB2_21:
0x122: {  	p1 =	slt.s32 s19, $0x1  }
.Ltmp13:
0x123: {  	_ = 	snop;
	(pc) =	sbr.rel @p1 .LBB2_25-.Ltmp13, $4  }
0x124: {  	_ = 	snop  }
0x125: {  	_ =	swait.ge [sflag:s23], $0x6000  }
0x126: {  	[sflag:s23] =	ssyncset.done $0x0  }
0x127: {  	s4 =	simm.s32 $0x0;
	[sflag:s23] =	ssyncadd.s32 $0xFFFFA000  }
0x128: {  	s8 =	sand.u32 $0xFFFFFFC0, s4  }
0x129: {  	s8 =	sshra.s32 s8, $0x2  }
0x12a: {  	v5 =	vld [tilespmem:s8+$0xE00];
	_ =	sdelay $0x1  }
0x12b: {  	s18 =	sand.u32 $0xF, s4  }
0x12c: {  	v6 =	vmov s18  }
0x12d: {  	vm0 =	veq.s32 v6, v3  }
0x12e: {  	v5 =	vnsel vm0, $0x0, v5  }
0x12f: {  	(xrf0) =	vadd.scan.msk.s32 $0xffff, v5;
	_ =	sdelay $0x5  }
0x130: {  	v5, _, _ =	vpop (xrf0)  }
0x131: {  	(v2sf) =	vpush v5, $0xF;
	_ =	sdelay $0xb  }
0x132: {  	p2 =	sne.s32 s19, $0x1  }
.Ltmp14:
0x133: {  	_ = 	snop;
	(pc) =	sbr.rel @!p2 .LBB2_24-.Ltmp14, $4  }
0x134: {  	_ = 	snop  }
0x135: {  	s31 =	spop (v2sf)  }
0x136: {  	s9 =	smul.u32 $0x6000, s31  }
0x137: {  	s4 =	simm.s32 $0x1;
	s8 =	simm.s32 $0x4  }
.LBB2_23:
0x138: {  	s10 =	sand.u32 $0xFFFFFFC0, s8;
	s9 =	sshrl.u32 s9, $0x3;
	s13 =	smov.u32 s4  }
0x139: {  	s10 =	sshra.s32 s10, $0x2;
	s9 =	sadd.s32 s5, s9  }
0x13a: {  	[hbm4b:s9+s6] =	stream.linear.scatter [tilespmem:s16], [sflag:$0x3], $0x6000, $0x38;
	[tilespmem:$0xDF00] =	vst v63  }
0x13b: {  	s4 =	sadd.s32 $0x1, s4;
	v5 =	vld [tilespmem:s10+$0xE00]  }
0x13c: {  	p2 =	sne.s32 s19, s4  }
0x13d: {  	s9 =	sand.u32 $0xF, s13  }
0x13e: {  	v6 =	vmov s9  }
0x13f: {  	vm0 =	veq.s32 v6, v3  }
0x140: {  	v5 =	vnsel vm0, $0x0, v5  }
0x141: {  	(xrf0) =	vadd.scan.msk.s32 $0xffff, v5;
	_ =	sdelay $0x5  }
0x142: {  	v5, _, _ =	vpop (xrf0)  }
0x143: {  	(v2sf) =	vpush v5, $0xF;
	_ =	sdelay $0xc  }
.Ltmp15:
0x144: {  	(pc) =	sbr.rel @p2 .LBB2_23-.Ltmp15, $4  }
0x145: {  	_ = 	snop  }
0x146: {  	s9 =	spop (v2sf)  }
0x147: {  	s9 =	smul.u32 $0x6000, s9  }
0x148: {  	s8 =	sadd.s32 $0x4, s8  }
.LBB2_24:
0x149: {  	s4 =	sshrl.u32 s9, $0x3  }
0x14a: {  	s4 =	sadd.s32 s5, s4  }
0x14b: {  	[hbm4b:s4+s6] =	stream.linear.scatter [tilespmem:s16], [sflag:$0x3], $0x6000, $0x38;
	[tilespmem:$0xDF00] =	vst v63  }
.LBB2_25:
0x14c: {  	p2 =	sgt.u32 s0, $0x7  }
0x14d: {  	s4 =	simm.s32 @!p2 $0x5  }
0x14e: {  	_ =	swait.ge @!p2 [sflag:s4], $0x1000  }
0x14f: {  	[sflag:s4] =	ssyncset.done @!p2 $0x0  }
0x150: {  	s10 =	sshll.u32 s0, $0x6;
	[sflag:s4] =	ssyncadd.s32 @!p2 $0xFFFFF000;
	s4 =	sshll.u32 @!p2 s0, $0xA  }
0x151: {  	s8 =	simm.s32 @!p2 $0x0;
	s9 =	simm.s32 @!p2 $0xCF00;
	s4 =	sadd.s32 @!p2 s4, s14  }
0x152: {  	[hbm4b:s4+s8] =	stream.linear.scatter @!p2 [tilespmem:s9], [sflag:$0x7], $0x1000, $0x38;
	[tilespmem:$0xDF00] =	vst v63  }
0x153: {  	s15 =	sadd.s32 $0x40, s10;
	s4 =	simm.s32 @!p2 $0x7  }
.Ltmp16:
0x154: {  	s8 =	sshll.u32 @!p2 s0, $0x6;
	_ =	swait.ge @!p2 [sflag:s4], $0x1000;
	(pc) =	sbr.rel @p0 .LBB2_26-.Ltmp16, $4  }
0x155: {  	s31 =	sor.u32 s7, s15;
	s8 =	sand.u32 @!p2 $0x3FFFFFC0, s8;
	[sflag:s4] =	ssyncset.done @!p2 $0x0  }
0x156: {  	[sflag:s4] =	ssyncadd.s32 @!p2 $0xFFFFF000;
	s4 =	sadd.s32 @!p2 $0x820, s8;
	s8 =	simm.s32 @!p2 $0x20  }
0x157: {  	[tilespmem:s9], [sflag:$0x5] =	stream.indirect.gather @!p2 [hbm4b:s3+s8], $0x80, s4, s8, $0xb8;
	[tilespmem:$0xDF00] =	vst v63  }
0x158: {  	p3 =	sne.s32 s1, $0x1;
	s8 =	smin.u32 s31, $0x3E7  }
.Ltmp17:
0x159: {  	(pc) =	sbr.rel @!p3 .LBB2_28-.Ltmp17, $3  }
0x15a: {  	_ =	sdelay $0x1  }
0x15b: {  	s4 =	simm.s32 $0xA00  }
0x15c: {  	v5 =	vmov s8;
	s9 =	simm.s32 $0x0;
	p4 =	por $0x0, $0x0;
	v6 =	vld [tilespmem:s4+$0x0];
	s4 =	sadd.s32 $0xFFFFFFFF, s1  }
0x15d: {  	_ =	sdelay $0x3  }
0x15e: {  	v8 =	vor.u32 s9, v3;
	v7 =	vshra.s32 v6, $0xE  }
0x15f: {  	vm1 =	vlt.s32 v8, v4;
	vm0 =	veq.s32 v7, v5  }
0x160: {  	vm0 =	vmand vm1, vm0  }
0x161: {  	v7 =	vsel vm0, $0x1, v2  }
0x162: {  	(xrf0) =	vadd.scan.msk.s32 $0xffff, v7;
	_ =	sdelay $0x2  }
0x163: {  	v7 =	vmov s9  }
0x164: {  	v7 =	vadd.s32 $0xFFFFFFFF, v7  }
0x165: {  	v7 =	vbroadcast v7, $0x0  }
0x166: {  	v8, _, _ =	vpop (xrf0)  }
0x167: {  	v7 =	vadd.s32 v8, v7;
	(v2sf) =	vpush v8, $0xF  }
0x168: {  	vm15 =	vlt.s32 v7, $0x40  }
0x169: {  	vm0 =	vmand vm0, vm15;
	_ =	sdelay $0x1  }
0x16a: {  	p5 =	sne.s32 s4, $0x1  }
.Ltmp18:
0x16b: {  	_ = 	snop;
	(pc) =	sbr.rel @!p5 .LBB2_30-.Ltmp18, $4  }
0x16c: {  	_ = 	snop  }
0x16d: {  	v6 =	vand.u32 $0x3FFF, v6  }
0x16e: {  	s31 =	simm.s32 $0xA10;
	s13 =	sadd.s32 $0xFFFFFFFF, s4;
	[tilespmem:v7+s24+$0x0] =	vst.idx.msk vm0, v6  }
0x16f: {  	p4 =	por $0x1, $0x1;
	s4 =	simm.s32 $0x0;
	s18 =	simm.s32 $0x0;
	v6 =	vld [tilespmem:s31+$0x0]  }
.LBB2_31:
0x170: {  	p5 =	sne.s32 s13, $0x1;
	_ =	sdelay $0x2  }
0x171: {  	s4 =	sadd.s32 $0x10, s4  }
0x172: {  	v8 =	vor.u32 s4, v3;
	v7 =	vshra.s32 v6, $0xE;
	v6 =	vand.u32 $0x3FFF, v6  }
0x173: {  	vm1 =	vlt.s32 v8, v4;
	vm0 =	veq.s32 v7, v5;
	s2 =	spop (v2sf)  }
0x174: {  	vm0 =	vmand vm1, vm0;
	s18 =	sadd.s32 s18, s2  }
0x175: {  	v7 =	vsel vm0, $0x1, v2;
	v8 =	vmov s18  }
0x176: {  	v8 =	vadd.s32 $0xFFFFFFFF, v8;
	(xrf0) =	vadd.scan.msk.s32 $0xffff, v7  }
0x177: {  	v7 =	vbroadcast v8, $0x0;
	_ =	sdelay $0x4  }
0x178: {  	v8, _, _ =	vpop (xrf0)  }
0x179: {  	v7 =	vadd.s32 v8, v7;
	(v2sf) =	vpush v8, $0xF  }
0x17a: {  	vm1 =	vlt.s32 v7, $0x40  }
0x17b: {  	vm0 =	vmand vm0, vm1;
	_ =	sdelay $0x2  }
.Ltmp19:
0x17c: {  	(pc) =	sbr.rel @p5 .LBB2_31-.Ltmp19, $3  }
0x17d: {  	_ =	sdelay $0x1  }
0x17e: {  	s31 =	sadd.s32 $0x10, s31;
	[tilespmem:v7+s24+$0x0] =	vst.idx.msk vm0, v6  }
0x17f: {  	s13 =	sadd.s32 $0xFFFFFFFF, s13;
	v6 =	vld [tilespmem:s31+$0x0]  }
.LBB2_32:
0x180: {  	_ =	sdelay $0x1  }
0x181: {  	s2 =	sadd.s32 @p4 $0x10, s4;
	s4 =	simm.s32 $0x0  }
0x182: {  	s4 =	smov.u32 @p4 s2  }
0x183: {  	v8 =	vor.u32 s4, v3;
	v7 =	vshra.s32 v6, $0xE  }
0x184: {  	vm1 =	vlt.s32 v8, v4;
	vm0 =	veq.s32 v7, v5  }
0x185: {  	vm0 =	vmand vm1, vm0  }
0x186: {  	v5 =	vsel vm0, $0x1, v2  }
0x187: {  	(xrf0) =	vadd.scan.msk.s32 $0xffff, v5;
	_ =	sdelay $0x5  }
0x188: {  	v5, _, _ =	vpop (xrf0)  }
0x189: {  	(v2sf) =	vpush v5, $0xF;
	_ =	sdelay $0x2  }
0x18a: {  	s2 =	spop @p4 (v2sf)  }
0x18b: {  	s2 =	sadd.s32 @p4 s18, s2  }
0x18c: {  	s9 =	smov.u32 @p4 s2  }
0x18d: {  	v7 =	vmov s9  }
0x18e: {  	v7 =	vadd.s32 $0xFFFFFFFF, v7  }
0x18f: {  	v7 =	vbroadcast v7, $0x0;
	_ =	sdelay $0x1  }
0x190: {  	v5 =	vadd.s32 v5, v7  }
0x191: {  	vm15 =	vlt.s32 v5, $0x40  }
0x192: {  	vm0 =	vmand vm0, vm15;
	_ =	sdelay $0x1  }
.Ltmp20:
0x193: {  	_ = 	snop;
	(pc) =	sbr.rel .LBB2_33-.Ltmp20, $4  }
0x194: {  	s31 =	spop (v2sf)  }
0x195: {  	s9 =	sadd.s32 s9, s31  }
0x196: {  	v6 =	vand.u32 $0x3FFF, v6;
	p4 =	slt.s32 s9, $0x40  }
0x197: {  	[tilespmem:v5+s24+$0x0] =	vst.idx.msk vm0, v6;
	s9 =	simm.s32 @!p4 $0x40  }
.LBB2_26:
0x198: {  	s9 =	simm.s32 $0x0  }
.LBB2_33:
0x199: {  	p4 =	slt.s32 s17, $0x1  }
.Ltmp21:
0x19a: {  	_ = 	snop;
	(pc) =	sbr.rel @p4 .LBB2_37-.Ltmp21, $1  }
0x19b: {  	_ =	sdelay $0x3  }
0x19c: {  	p4 =	sne.s32 s17, $0x1  }
.Ltmp22:
0x19d: {  	_ = 	snop;
	(pc) =	sbr.rel @!p4 .LBB2_36-.Ltmp22, $3  }
0x19e: {  	_ =	sdelay $0x1  }
0x19f: {  	_ =	swait.ge [sflag:s26], $0x6000  }
0x1a0: {  	s4 =	sadd.s32 $0xFFFFFFFF, s17;
	[sflag:s26] =	ssyncset.done $0x0  }
.LBB2_35:
0x1a1: {  	p4 =	sne.s32 s4, $0x1;
	s4 =	sadd.s32 $0xFFFFFFFF, s4;
	[sflag:s26] =	ssyncadd.s32 $0xFFFFA000  }
.Ltmp23:
0x1a2: {  	(pc) =	sbr.rel @p4 .LBB2_35-.Ltmp23, $3  }
0x1a3: {  	_ =	sdelay $0x1  }
0x1a4: {  	_ =	swait.ge [sflag:s26], $0x6000  }
0x1a5: {  	[sflag:s26] =	ssyncset.done $0x0  }
.LBB2_36:
0x1a6: {  	[sflag:s26] =	ssyncadd.s32 $0xFFFFA000  }
.LBB2_37:
0x1a7: {  	s2 =	sshll.u32 s0, $0x1  }
0x1a8: {  	s17 =	sor.u32 $0x1, s2  }
0x1a9: {  	s2 =	sshll.u32 s17, $0x5  }
0x1aa: {  	s2 =	sor.u32 s7, s2  }
0x1ab: {  	s2 =	smin.u32 s2, $0x3E7  }
0x1ac: {  	s2 =	smul.u32 $0xC00, s2  }
0x1ad: {  	p4 =	slt.s32 s20, $0x1  }
.Ltmp24:
0x1ae: {  	s4 =	simm.s32 $0x0;
	s2 =	sadd.s32 s12, s2;
	(pc) =	sbr.rel @p4 .LBB2_41-.Ltmp24, $4  }
0x1af: {  	[tilespmem:s28], [sflag:$0x2] =	stream.linear.gather [hbm4b:s2+s4], $0x6000, $0x38;
	[tilespmem:$0xDF00] =	vst v63  }
0x1b0: {  	_ =	swait.ge [sflag:s29], $0x6000  }
0x1b1: {  	[sflag:s29] =	ssyncset.done $0x0  }
0x1b2: {  	[sflag:s29] =	ssyncadd.s32 $0xFFFFA000  }
0x1b3: {  	s2 =	sand.u32 $0xFFFFFFC0, s4  }
0x1b4: {  	s2 =	sshra.s32 s2, $0x2  }
0x1b5: {  	v5 =	vld [tilespmem:s2+$0xE80];
	_ =	sdelay $0x1  }
0x1b6: {  	s18 =	sand.u32 $0xF, s4  }
0x1b7: {  	v6 =	vmov s18  }
0x1b8: {  	vm0 =	veq.s32 v6, v3  }
0x1b9: {  	v5 =	vnsel vm0, $0x0, v5  }
0x1ba: {  	(xrf0) =	vadd.scan.msk.s32 $0xffff, v5;
	_ =	sdelay $0x5  }
0x1bb: {  	v5, _, _ =	vpop (xrf0)  }
0x1bc: {  	(v2sf) =	vpush v5, $0xF;
	_ =	sdelay $0xb  }
0x1bd: {  	p4 =	sne.s32 s20, $0x1  }
.Ltmp25:
0x1be: {  	_ = 	snop;
	(pc) =	sbr.rel @!p4 .LBB2_40-.Ltmp25, $4  }
0x1bf: {  	_ = 	snop  }
0x1c0: {  	s31 =	spop (v2sf)  }
0x1c1: {  	s13 =	smul.u32 $0x6000, s31  }
0x1c2: {  	s4 =	simm.s32 $0x1;
	s18 =	simm.s32 $0x4  }
.LBB2_39:
0x1c3: {  	s2 =	sand.u32 $0xFFFFFFC0, s18;
	s13 =	sshrl.u32 s13, $0x3;
	s31 =	smov.u32 s4  }
0x1c4: {  	s2 =	sshra.s32 s2, $0x2;
	s13 =	sadd.s32 s5, s13  }
0x1c5: {  	[hbm4b:s13+s6] =	stream.linear.scatter [tilespmem:s28], [sflag:$0x4], $0x6000, $0x38;
	[tilespmem:$0xDF00] =	vst v63  }
0x1c6: {  	s4 =	sadd.s32 $0x1, s4;
	v5 =	vld [tilespmem:s2+$0xE80]  }
0x1c7: {  	p4 =	sne.s32 s20, s4  }
0x1c8: {  	s2 =	sand.u32 $0xF, s31  }
0x1c9: {  	v6 =	vmov s2  }
0x1ca: {  	vm0 =	veq.s32 v6, v3  }
0x1cb: {  	v5 =	vnsel vm0, $0x0, v5  }
0x1cc: {  	(xrf0) =	vadd.scan.msk.s32 $0xffff, v5;
	_ =	sdelay $0x5  }
0x1cd: {  	v5, _, _ =	vpop (xrf0)  }
0x1ce: {  	(v2sf) =	vpush v5, $0xF;
	_ =	sdelay $0xc  }
.Ltmp26:
0x1cf: {  	(pc) =	sbr.rel @p4 .LBB2_39-.Ltmp26, $4  }
0x1d0: {  	_ = 	snop  }
0x1d1: {  	s2 =	spop (v2sf)  }
0x1d2: {  	s13 =	smul.u32 $0x6000, s2  }
0x1d3: {  	s18 =	sadd.s32 $0x4, s18  }
.LBB2_40:
0x1d4: {  	s2 =	sshrl.u32 s13, $0x3  }
0x1d5: {  	s2 =	sadd.s32 s5, s2  }
0x1d6: {  	[hbm4b:s2+s6] =	stream.linear.scatter [tilespmem:s28], [sflag:$0x4], $0x6000, $0x38;
	[tilespmem:$0xDF00] =	vst v63  }
.LBB2_41:
0x1d7: {  	s2 =	simm.s32 @!p2 $0x5  }
0x1d8: {  	_ =	swait.ge @!p2 [sflag:s2], $0x1000  }
0x1d9: {  	[sflag:s2] =	ssyncset.done @!p2 $0x0  }
0x1da: {  	[sflag:s2] =	ssyncadd.s32 @!p2 $0xFFFFF000;
	s2 =	sshll.u32 @!p2 s17, $0x9  }
0x1db: {  	s4 =	simm.s32 @!p2 $0x0;
	s13 =	simm.s32 @!p2 $0xCF00;
	s2 =	sadd.s32 @!p2 s2, s14  }
0x1dc: {  	[hbm4b:s2+s4] =	stream.linear.scatter @!p2 [tilespmem:s13], [sflag:$0x7], $0x1000, $0x38;
	[tilespmem:$0xDF00] =	vst v63  }
0x1dd: {  	s2 =	simm.s32 @!p2 $0x7  }
.Ltmp27:
0x1de: {  	_ =	swait.ge @!p2 [sflag:s2], $0x1000;
	(pc) =	sbr.rel @p0 .LBB2_42-.Ltmp27, $4  }
0x1df: {  	p4 =	seq.s32 @!p2 s0, $0x7;
	[sflag:s2] =	ssyncset.done @!p2 $0x0  }
0x1e0: {  	[sflag:s2] =	ssyncadd.s32 @!p2 $0xFFFFF000;
	p2 =	por p4, p2  }
0x1e1: {  	s2 =	sadd.s32 @!p2 $0x800, s15;
	s4 =	simm.s32 @!p2 $0x20;
	s13 =	simm.s32 @!p2 $0xCF00  }
0x1e2: {  	[tilespmem:s13], [sflag:$0x5] =	stream.indirect.gather @!p2 [hbm4b:s3+s4], $0x80, s2, s4, $0xb8;
	[tilespmem:$0xDF00] =	vst v63  }
.Ltmp28:
0x1e3: {  	(pc) =	sbr.rel @!p3 .LBB2_44-.Ltmp28, $4  }
0x1e4: {  	s2 =	rddreg [dreg:$0xa]  }
0x1e5: {  	s2 =	sadd.s32 s2, s10  }
0x1e6: {  	s4 =	simm.s32 $0xA00;
	s2 =	smin.u32 s2, $0x3E7  }
0x1e7: {  	p2 =	por $0x0, $0x0;
	s10 =	simm.s32 $0x0;
	v6 =	vld [tilespmem:s4+$0x0];
	s4 =	sadd.s32 $0xFFFFFFFF, s1;
	v5 =	vmov s2  }
0x1e8: {  	_ =	sdelay $0x3  }
0x1e9: {  	v8 =	vor.u32 s10, v3;
	v7 =	vshra.s32 v6, $0xE  }
0x1ea: {  	vm1 =	vlt.s32 v8, v4;
	vm0 =	veq.s32 v7, v5  }
0x1eb: {  	vm0 =	vmand vm1, vm0  }
0x1ec: {  	v7 =	vsel vm0, $0x1, v2  }
0x1ed: {  	(xrf0) =	vadd.scan.msk.s32 $0xffff, v7;
	_ =	sdelay $0x2  }
0x1ee: {  	v7 =	vmov s10  }
0x1ef: {  	v7 =	vadd.s32 $0xFFFFFFFF, v7  }
0x1f0: {  	v7 =	vbroadcast v7, $0x0  }
0x1f1: {  	v8, _, _ =	vpop (xrf0)  }
0x1f2: {  	v7 =	vadd.s32 v8, v7;
	(v2sf) =	vpush v8, $0xF  }
0x1f3: {  	vm15 =	vlt.s32 v7, $0x40  }
0x1f4: {  	vm0 =	vmand vm0, vm15;
	_ =	sdelay $0x1  }
0x1f5: {  	p3 =	sne.s32 s4, $0x1  }
.Ltmp29:
0x1f6: {  	_ = 	snop;
	(pc) =	sbr.rel @!p3 .LBB2_46-.Ltmp29, $4  }
0x1f7: {  	_ = 	snop  }
0x1f8: {  	v6 =	vand.u32 $0x3FFF, v6  }
0x1f9: {  	s17 =	simm.s32 $0xA10;
	s13 =	sadd.s32 $0xFFFFFFFF, s4;
	[tilespmem:v7+s25+$0x0] =	vst.idx.msk vm0, v6  }
0x1fa: {  	p2 =	por $0x1, $0x1;
	s4 =	simm.s32 $0x0;
	s15 =	simm.s32 $0x0;
	v6 =	vld [tilespmem:s17+$0x0]  }
.LBB2_47:
0x1fb: {  	p3 =	sne.s32 s13, $0x1;
	_ =	sdelay $0x2  }
0x1fc: {  	s4 =	sadd.s32 $0x10, s4  }
0x1fd: {  	v8 =	vor.u32 s4, v3;
	v7 =	vshra.s32 v6, $0xE;
	v6 =	vand.u32 $0x3FFF, v6  }
0x1fe: {  	vm1 =	vlt.s32 v8, v4;
	vm0 =	veq.s32 v7, v5;
	s2 =	spop (v2sf)  }
0x1ff: {  	vm0 =	vmand vm1, vm0;
	s15 =	sadd.s32 s15, s2  }
0x200: {  	v7 =	vsel vm0, $0x1, v2;
	v8 =	vmov s15  }
0x201: {  	v8 =	vadd.s32 $0xFFFFFFFF, v8;
	(xrf0) =	vadd.scan.msk.s32 $0xffff, v7  }
0x202: {  	v7 =	vbroadcast v8, $0x0;
	_ =	sdelay $0x4  }
0x203: {  	v8, _, _ =	vpop (xrf0)  }
0x204: {  	v7 =	vadd.s32 v8, v7;
	(v2sf) =	vpush v8, $0xF  }
0x205: {  	vm1 =	vlt.s32 v7, $0x40  }
0x206: {  	vm0 =	vmand vm0, vm1;
	_ =	sdelay $0x2  }
.Ltmp30:
0x207: {  	(pc) =	sbr.rel @p3 .LBB2_47-.Ltmp30, $3  }
0x208: {  	_ =	sdelay $0x1  }
0x209: {  	s17 =	sadd.s32 $0x10, s17;
	[tilespmem:v7+s25+$0x0] =	vst.idx.msk vm0, v6  }
0x20a: {  	s13 =	sadd.s32 $0xFFFFFFFF, s13;
	v6 =	vld [tilespmem:s17+$0x0]  }
.LBB2_48:
0x20b: {  	_ =	sdelay $0x1  }
0x20c: {  	s2 =	sadd.s32 @p2 $0x10, s4;
	s4 =	simm.s32 $0x0  }
0x20d: {  	s4 =	smov.u32 @p2 s2  }
0x20e: {  	v8 =	vor.u32 s4, v3;
	v7 =	vshra.s32 v6, $0xE  }
0x20f: {  	vm1 =	vlt.s32 v8, v4;
	vm0 =	veq.s32 v7, v5  }
0x210: {  	vm0 =	vmand vm1, vm0  }
0x211: {  	v5 =	vsel vm0, $0x1, v2  }
0x212: {  	(xrf0) =	vadd.scan.msk.s32 $0xffff, v5;
	_ =	sdelay $0x5  }
0x213: {  	v5, _, _ =	vpop (xrf0)  }
0x214: {  	(v2sf) =	vpush v5, $0xF;
	_ =	sdelay $0x2  }
0x215: {  	s2 =	spop @p2 (v2sf)  }
0x216: {  	s2 =	sadd.s32 @p2 s15, s2  }
0x217: {  	s10 =	smov.u32 @p2 s2  }
0x218: {  	v7 =	vmov s10  }
0x219: {  	v7 =	vadd.s32 $0xFFFFFFFF, v7  }
0x21a: {  	v7 =	vbroadcast v7, $0x0;
	_ =	sdelay $0x1  }
0x21b: {  	v5 =	vadd.s32 v5, v7  }
0x21c: {  	vm15 =	vlt.s32 v5, $0x40  }
0x21d: {  	vm0 =	vmand vm0, vm15;
	_ =	sdelay $0x1  }
.Ltmp31:
0x21e: {  	_ = 	snop;
	(pc) =	sbr.rel .LBB2_49-.Ltmp31, $4  }
0x21f: {  	s31 =	spop (v2sf)  }
0x220: {  	s4 =	sadd.s32 s10, s31  }
0x221: {  	v6 =	vand.u32 $0x3FFF, v6;
	p2 =	slt.s32 s4, $0x40  }
0x222: {  	[tilespmem:v5+s25+$0x0] =	vst.idx.msk vm0, v6;
	s4 =	simm.s32 @!p2 $0x40  }
.LBB2_42:
0x223: {  	s4 =	simm.s32 $0x0  }
.LBB2_49:
.Ltmp32:
0x224: {  	(pc) =	sbr.rel @p1 .LBB2_53-.Ltmp32, $1  }
0x225: {  	_ =	sdelay $0x3  }
0x226: {  	p1 =	sne.s32 s19, $0x1  }
.Ltmp33:
0x227: {  	_ = 	snop;
	(pc) =	sbr.rel @!p1 .LBB2_52-.Ltmp33, $3  }
0x228: {  	_ =	sdelay $0x1  }
0x229: {  	_ =	swait.ge [sflag:s30], $0x6000  }
0x22a: {  	s10 =	sadd.s32 $0xFFFFFFFF, s19;
	[sflag:s30] =	ssyncset.done $0x0  }
.LBB2_51:
0x22b: {  	p1 =	sne.s32 s10, $0x1;
	s10 =	sadd.s32 $0xFFFFFFFF, s10;
	[sflag:s30] =	ssyncadd.s32 $0xFFFFA000  }
.Ltmp34:
0x22c: {  	(pc) =	sbr.rel @p1 .LBB2_51-.Ltmp34, $3  }
0x22d: {  	_ =	sdelay $0x1  }
0x22e: {  	_ =	swait.ge [sflag:s30], $0x6000  }
0x22f: {  	[sflag:s30] =	ssyncset.done $0x0  }
.LBB2_52:
0x230: {  	[sflag:s30] =	ssyncadd.s32 $0xFFFFA000  }
.LBB2_53:
0x231: {  	p1 =	seq.s32 s0, $0xF  }
.Ltmp35:
0x232: {  	_ = 	snop;
	(pc) =	sbr.rel @p1 .LBB2_55-.Ltmp35, $1  }
0x233: {  	_ =	sdelay $0x3  }
.Ltmp36:
0x234: {  	(pc) =	sbr.rel .LBB2_21-.Ltmp36, $4  }
0x235: {  	s2 =	smul.u32 $0xC00, s8  }
0x236: {  	s17 =	smov.u32 s20;
	s0 =	sadd.s32 $0x1, s0  }
0x237: {  	s20 =	smov.u32 s4;
	s19 =	smov.u32 s9;
	s2 =	sadd.s32 s12, s2  }
0x238: {  	[tilespmem:s16], [sflag:$0x1] =	stream.linear.gather [hbm4b:s2+s6], $0x6000, $0x38;
	[tilespmem:$0xDF00] =	vst v63  }
.LBB2_28:
.Ltmp37:
0x239: {  	(pc) =	sbr.rel .LBB2_32-.Ltmp37, $2  }
0x23a: {  	_ =	sdelay $0x2  }
0x23b: {  	s4 =	simm.s32 $0x0;
	s18 =	simm.s32 $0x0  }
.LBB2_44:
.Ltmp38:
0x23c: {  	(pc) =	sbr.rel .LBB2_48-.Ltmp38, $2  }
0x23d: {  	_ =	sdelay $0x2  }
0x23e: {  	s4 =	simm.s32 $0x0;
	s15 =	simm.s32 $0x0  }
.LBB2_30:
.Ltmp39:
0x23f: {  	(pc) =	sbr.rel .LBB2_32-.Ltmp39, $2  }
0x240: {  	_ =	sdelay $0x2  }
0x241: {  	s4 =	simm.s32 $0x0;
	s18 =	simm.s32 $0x0  }
.LBB2_46:
.Ltmp40:
0x242: {  	(pc) =	sbr.rel .LBB2_48-.Ltmp40, $2  }
0x243: {  	_ =	sdelay $0x2  }
0x244: {  	s4 =	simm.s32 $0x0;
	s15 =	simm.s32 $0x0  }
.LBB2_55:
0x245: {  	p0 =	sgt.s32 s20, $0x0  }
.Ltmp41:
0x246: {  	_ = 	snop;
	(pc) =	sbr.rel @!p0 .LBB2_59-.Ltmp41, $3  }
0x247: {  	_ =	sdelay $0x1  }
0x248: {  	s2 =	rddreg [dreg:$0x9]  }
0x249: {  	s17 =	simm.s32 $0x400;
	s1 =	rddreg [dreg:$0xc]  }
0x24a: {  	p0 =	sne.s32 s20, $0x1  }
.Ltmp42:
0x24b: {  	_ = 	snop;
	(pc) =	sbr.rel @!p0 .LBB2_58-.Ltmp42, $3  }
0x24c: {  	_ =	sdelay $0x1  }
0x24d: {  	_ =	swait.ge [sflag:s26], $0x6000  }
0x24e: {  	s0 =	sadd.s32 $0xFFFFFFFF, s20;
	[sflag:s26] =	ssyncset.done $0x0  }
.LBB2_57:
0x24f: {  	p0 =	sne.s32 s0, $0x1;
	s0 =	sadd.s32 $0xFFFFFFFF, s0;
	[sflag:s26] =	ssyncadd.s32 $0xFFFFA000  }
.Ltmp43:
0x250: {  	(pc) =	sbr.rel @p0 .LBB2_57-.Ltmp43, $3  }
0x251: {  	_ =	sdelay $0x1  }
0x252: {  	_ =	swait.ge [sflag:s26], $0x6000  }
0x253: {  	[sflag:s26] =	ssyncset.done $0x0  }
.Ltmp44:
0x254: {  	_ = 	snop;
	(pc) =	sbr.rel .LBB2_58-.Ltmp44, $1  }
0x255: {  	_ =	sdelay $0x3  }
.LBB2_10:
.Ltmp45:
0x256: {  	(pc) =	sbr.rel .LBB2_14-.Ltmp45, $2  }
0x257: {  	_ =	sdelay $0x2  }
0x258: {  	s8 =	simm.s32 $0x0;
	s0 =	simm.s32 $0x0;
	p2 =	por $0x0, $0x0  }
.LBB2_15:
.Ltmp46:
0x259: {  	(pc) =	sbr.rel .LBB2_19-.Ltmp46, $2  }
0x25a: {  	_ =	sdelay $0x2  }
0x25b: {  	s9 =	simm.s32 $0x0;
	s8 =	simm.s32 $0x0  }
.LBB2_12:
.Ltmp47:
0x25c: {  	(pc) =	sbr.rel .LBB2_14-.Ltmp47, $2  }
0x25d: {  	_ =	sdelay $0x2  }
0x25e: {  	s8 =	simm.s32 $0x0;
	s0 =	simm.s32 $0x0  }
.LBB2_17:
.Ltmp48:
0x25f: {  	(pc) =	sbr.rel .LBB2_19-.Ltmp48, $2  }
0x260: {  	_ =	sdelay $0x2  }
0x261: {  	s9 =	simm.s32 $0x0;
	s8 =	simm.s32 $0x0  }
.LBB2_60:
0x262: {  	_ =	sfence.sel $0x180000  }
0x263: {  	[bflag:$0x0] =	sbarrier.arrive $0xFFFF  }
0x264: {  	_ =	strace $0x90000047  }
0x265: {  	s0 =	stileid.u32;
	[bflag:$0x2] =	sbarrier.arrive $0xFFFF  }
0x266: {  	p0 =	sne.s32 s0, $0x0;
	s0 =	rddreg [dreg:$0x5]  }
0x267: {  	s0 =	sadd.s32 @!p0 $0x100000, s0  }
0x268: {  	[sflag:s0] =	ssyncadd.tile.s32 @!p0 $0x1;
	_ =	shalt  }
.Lfunc_end2:
_tile_overlayer_lowered:
.L_overlay_start_2:
0x269: {  	(tag) =	ssettag $0x2  }
0x26a: {  	s0 =	rddreg [dreg:$0x0];
	s2 =	stileid.u32  }
0x26b: {  	s1 =	rddreg [dreg:$0x1];
	p0 =	sne.s32 s2, $0x0  }
0x26c: {  	s3 =	rddreg [dreg:$0x2];
	[bflag:$0x3] =	sbarrier.arrive $0xFFFF;
	s2 =	simm.s32 @!p0 $0x1C07  }
0x26d: {  	[timem:s3], [sflag:s2] =	dma.local @!p0 [hbm:s0], s1  }
0x26e: {  	s0 =	simm.s32 @!p0 $0x7  }
0x26f: {  	_ =	swait.ge @!p0 [sflag:s0], s1  }
0x270: {  	s1 =	ssub.s32 @!p0 $0x0, s1;
	[sflag:s0] =	ssyncset.done @!p0 $0x0  }
0x271: {  	[sflag:s0] =	ssyncadd.s32 @!p0 s1  }
0x272: {  	[bflag:$0x3] =	sbarrier.arrive $0xFFFF  }
0x273: {  	_ =	shalt  }

</sc_bundles>
